<compile_context>
chip_gen: v7x
topology: tpu7x:2x2x1
jax: 0.10.2.dev20260603
libtpu: 0.0.44.dev20260713+nightly
codegen_flags: <defaults>
</compile_context>

<pallas_src>
import functools

import jax
import jax.numpy as jnp
from jax import lax
from jax.experimental import pallas as pl
from jax.experimental.pallas import tpu as pltpu
from jax.experimental.pallas import tpu_sc as plsc

NC = 2
NS = 16
L = 16
NW = NC * NS


def _edge_offsets(dist_embs, temp_embs, ws2d, wd2d, edge_dist3, edge_time3):
    NB, _, B = edge_dist3.shape
    ND = dist_embs.shape[0]
    NT = temp_embs.shape[0]

    def body(d_ref, t_ref, ws_ref, wd_ref, ed_ref, et_ref, cs_ref, cd_ref):
        dls = jnp.sum(d_ref[...] * ws_ref[...], axis=1)[:, None]
        dld = jnp.sum(d_ref[...] * wd_ref[...], axis=1)[:, None]
        tls = jnp.sum(t_ref[...] * ws_ref[...], axis=1)[:, None]
        tld = jnp.sum(t_ref[...] * wd_ref[...], axis=1)[:, None]
        de = ed_ref[0, 0, :]
        te = et_ref[0, 0, :]
        ohd = (lax.broadcasted_iota(jnp.int32, (ND, B), 0) == de[None, :])
        oht = (lax.broadcasted_iota(jnp.int32, (NT, B), 0) == te[None, :])
        zd = jnp.zeros((ND, B), jnp.float32)
        zt = jnp.zeros((NT, B), jnp.float32)
        cs_ref[0, 0, :] = (jnp.sum(jnp.where(ohd, dls, zd), axis=0)
                           + jnp.sum(jnp.where(oht, tls, zt), axis=0))
        cd_ref[0, 0, :] = (jnp.sum(jnp.where(ohd, dld, zd), axis=0)
                           + jnp.sum(jnp.where(oht, tld, zt), axis=0))

    out = pl.pallas_call(
        body,
        grid=(NB,),
        in_specs=[
            pl.BlockSpec(dist_embs.shape, lambda i: (0, 0)),
            pl.BlockSpec(temp_embs.shape, lambda i: (0, 0)),
            pl.BlockSpec(ws2d.shape, lambda i: (0, 0)),
            pl.BlockSpec(wd2d.shape, lambda i: (0, 0)),
            pl.BlockSpec((1, 1, B), lambda i: (i, 0, 0)),
            pl.BlockSpec((1, 1, B), lambda i: (i, 0, 0)),
        ],
        out_specs=[
            pl.BlockSpec((1, 1, B), lambda i: (i, 0, 0)),
            pl.BlockSpec((1, 1, B), lambda i: (i, 0, 0)),
        ],
        out_shape=[
            jax.ShapeDtypeStruct((NB, 1, B), jnp.float32),
            jax.ShapeDtypeStruct((NB, 1, B), jnp.float32),
        ],
    )(dist_embs, temp_embs, ws2d, wd2d, edge_dist3, edge_time3)
    return out


def _gather_rows(table, idx):
    NR = idx.shape[0]
    H = table.shape[1]
    CH = 80
    TOT = NR // CH
    iters = (TOT + NW - 1) // NW
    mesh = plsc.VectorSubcoreMesh(core_axis_name="c", subcore_axis_name="s",
                                  num_cores=NC, num_subcores=NS)

    @functools.partial(
        pl.kernel,
        out_type=jax.ShapeDtypeStruct((NR, H), jnp.float32),
        mesh=mesh,
        scratch_types=[
            pltpu.VMEM((CH,), jnp.int32),
            pltpu.VMEM((CH, H), jnp.float32),
            pltpu.SemaphoreType.DMA,
        ],
        compiler_params=pltpu.CompilerParams(needs_layout_passes=False),
    )
    def gk(tab_hbm, idx_hbm, out_hbm, idx_v, rows_v, sem):
        wid = lax.axis_index("s") * NC + lax.axis_index("c")

        def body(i, carry):
            cid = i * NW + wid

            @pl.when(cid < TOT)
            def _():
                b = cid * CH
                pltpu.sync_copy(idx_hbm.at[pl.ds(b, CH)], idx_v)
                pltpu.async_copy(tab_hbm.at[idx_v], rows_v, sem).wait()
                pltpu.sync_copy(rows_v, out_hbm.at[pl.ds(b, CH)])

            return carry

        lax.fori_loop(0, iters, body, 0)

    return gk(table, idx)


def _edge_pass(x, edge_index, ofs2, w2):
    N, H = x.shape
    E = edge_index.shape[1]
    EPW = E // NW
    CH = 40
    NCHUNK = EPW // CH
    KH = H // L
    mesh = plsc.VectorSubcoreMesh(core_axis_name="c", subcore_axis_name="s",
                                  num_cores=NC, num_subcores=NS)

    @functools.partial(
        pl.kernel,
        out_type=(jax.ShapeDtypeStruct((NC, N, H), jnp.float32),
                  jax.ShapeDtypeStruct((NC, N, L), jnp.float32)),
        mesh=mesh,
        scratch_types=[
            pltpu.VMEM((2, CH), jnp.int32),
            pltpu.VMEM((2, CH), jnp.int32),
            pltpu.VMEM((2, CH), jnp.int32),
            pltpu.VMEM((2, CH), jnp.int32),
            pltpu.VMEM((2, CH + 8), jnp.float32),
            pltpu.VMEM((2, CH + 8), jnp.float32),
            pltpu.VMEM((CH, H), jnp.float32),
            pltpu.VMEM((CH, H), jnp.float32),
            pltpu.VMEM((CH, H), jnp.float32),
            pltpu.VMEM((CH, H), jnp.float32),
            pltpu.VMEM((CH, L), jnp.float32),
            pltpu.VMEM((CH, L), jnp.float32),
            pltpu.VMEM((CH, L), jnp.float32),
            pltpu.VMEM((CH, L), jnp.float32),
            pltpu.VMEM((H,), jnp.float32),
            pltpu.VMEM((H,), jnp.float32),
            pltpu.SemaphoreType.DMA,
            pltpu.SemaphoreType.DMA,
            pltpu.SemaphoreType.DMA,
            pltpu.SemaphoreType.DMA,
            pltpu.SemaphoreType.DMA,
            pltpu.SemaphoreType.DMA,
            pltpu.SemaphoreType.DMA,
            pltpu.SemaphoreType.DMA,
            pltpu.VMEM_SHARED((N, H), jnp.float32),
            pltpu.VMEM_SHARED((N, L), jnp.float32),
        ],
        compiler_params=pltpu.CompilerParams(needs_layout_passes=False,
                                             use_tc_tiling_on_sc=False),
    )
    def ek(x_hbm, ei_hbm, ofs_hbm, w_hbm,
           numer_hbm, denom_hbm,
           idx2a, idx2b, sidx2a, sidx2b, ofs2a, ofs2b,
           xsa, xsb, xda, xdb,
           esa, esb, eda, edb, wS_v, wD_v,
           semGa, semGb, semSa, semSb,
           semEa, semEb, semDa, semDb,
           numer_s, denom_s):
        c = lax.axis_index("c")
        s = lax.axis_index("s")
        wid = s * NC + c

        pltpu.sync_copy(w_hbm.at[0], wS_v)
        pltpu.sync_copy(w_hbm.at[1], wD_v)

        zv = jnp.zeros((L,), jnp.float32)

        def z1(i, carry):
            for k in range(KH):
                xsa[i, pl.ds(k * L, L)] = zv
            esa[i, :] = zv
            return carry

        lax.fori_loop(0, CH, z1, 0)

        nrc = N // CH
        riters = (nrc + NS - 1) // NS

        def zinit(i, carry):
            cid = i * NS + s

            @pl.when(cid < nrc)
            def _():
                b = cid * CH
                pltpu.sync_copy(xsa, numer_s.at[pl.ds(b, CH)])
                pltpu.sync_copy(esa, denom_s.at[pl.ds(b, CH)])

            return carry

        lax.fori_loop(0, riters, zinit, 0)
        plsc.subcore_barrier()

        def fetch_edges_sync(i, idx2, ofs2):
            b = wid * EPW + i * CH
            pltpu.sync_copy(ei_hbm.at[:, pl.ds(b, CH)], idx2)
            pltpu.sync_copy(ofs_hbm.at[:, pl.ds(b, CH)],
                            ofs2.at[:, pl.ds(0, CH)])

        def issue_fetch(i, idx2, ofs2, semE):
            b = wid * EPW + i * CH
            pltpu.async_copy(ei_hbm.at[:, pl.ds(b, CH)], idx2, semE)
            pltpu.async_copy(ofs_hbm.at[:, pl.ds(b, CH)],
                             ofs2.at[:, pl.ds(0, CH)], semE)

        def wait_fetch(i, idx2, ofs2, semE):
            b = wid * EPW + i * CH
            pltpu.make_async_copy(ei_hbm.at[:, pl.ds(b, CH)], idx2,
                                  semE).wait()
            pltpu.make_async_copy(ofs_hbm.at[:, pl.ds(b, CH)],
                                  ofs2.at[:, pl.ds(0, CH)], semE).wait()

        def issue_gather(idx2, xs_v, xd_v, semG):
            pltpu.async_copy(x_hbm.at[idx2.at[0]], xs_v, semG)
            pltpu.async_copy(x_hbm.at[idx2.at[1]], xd_v, semG)

        def wait_gather(idx2, xs_v, xd_v, semG):
            pltpu.make_async_copy(x_hbm.at[idx2.at[0]], xs_v, semG).wait()
            pltpu.make_async_copy(x_hbm.at[idx2.at[1]], xd_v, semG).wait()

        def issue_scatter_rows(idx2, xs_v, xd_v, semS):
            pltpu.async_copy(xs_v, numer_s.at[idx2.at[1]], semS, add=True)
            pltpu.async_copy(xd_v, numer_s.at[idx2.at[0]], semS, add=True)

        def wait_scatter_rows(idx2, xs_v, xd_v, semS):
            pltpu.make_async_copy(xs_v, numer_s.at[idx2.at[1]], semS).wait()
            pltpu.make_async_copy(xd_v, numer_s.at[idx2.at[0]], semS).wait()

        def issue_scatter_den(idx2, es_v, ed_v, semD):
            pltpu.async_copy(es_v, denom_s.at[idx2.at[1]], semD, add=True)
            pltpu.async_copy(ed_v, denom_s.at[idx2.at[0]], semD, add=True)

        def wait_scatter_den(idx2, es_v, ed_v, semD):
            pltpu.make_async_copy(es_v, denom_s.at[idx2.at[1]], semD).wait()
            pltpu.make_async_copy(ed_v, denom_s.at[idx2.at[0]], semD).wait()

        def compute_group(gb, npart, cs16, cd16, xs_v, xd_v, es_v, ed_v):
            for j in range(npart):
                e = gb + j
                accS = jnp.zeros((L,), jnp.float32)
                accD = jnp.zeros((L,), jnp.float32)
                aa = []
                bb = []
                for k in range(KH):
                    ak = xs_v[e, pl.ds(k * L, L)]
                    bk = xd_v[e, pl.ds(k * L, L)]
                    p = ak * bk
                    accS = accS + p * wS_v[pl.ds(k * L, L)]
                    accD = accD + p * wD_v[pl.ds(k * L, L)]
                    aa.append(ak)
                    bb.append(bk)
                dS = jnp.sum(accS) + cs16[j]
                dD = jnp.sum(accD) + cd16[j]
                es = jnp.exp(jnp.broadcast_to(dS, (L,)))
                ed = jnp.exp(jnp.broadcast_to(dD, (L,)))
                es_v[e, :] = es
                ed_v[e, :] = ed
                for k in range(KH):
                    xs_v[e, pl.ds(k * L, L)] = aa[k] * es
                    xd_v[e, pl.ds(k * L, L)] = bb[k] * ed

        NG = (CH + L - 1) // L

        def load_ofs(ofs2):
            return [(ofs2[0, pl.ds(g * L, L)], ofs2[1, pl.ds(g * L, L)])
                    for g in range(NG)]

        def compute_chunk(cscd, xs_v, xd_v, es_v, ed_v):
            for g in range(NG):
                npart = min(L, CH - g * L)
                compute_group(g * L, npart, cscd[g][0], cscd[g][1],
                              xs_v, xd_v, es_v, ed_v)

        def copy_idx(idx2, sidx2):
            for r in range(2):
                for o in (0, 16, CH - L):
                    sidx2[r, pl.ds(o, L)] = idx2[r, pl.ds(o, L)]

        def chunk_step(i, bufP, bufQ):
            (idxP, sidxP, ofsP, semEP, xsP, xdP, esP, edP,
             semGP, semSP, semDP) = bufP
            (idxQ, sidxQ, ofsQ, semEQ, xsQ, xdQ, esQ, edQ,
             semGQ, semSQ, semDQ) = bufQ
            wait_gather(idxP, xsP, xdP, semGP)
            copy_idx(idxP, sidxP)
            cscd = load_ofs(ofsP)

            @pl.when(i + 1 < NCHUNK)
            def _():
                @pl.when(i >= 1)
                def _():
                    wait_scatter_rows(sidxQ, xsQ, xdQ, semSQ)

                wait_fetch(i + 1, idxQ, ofsQ, semEQ)
                issue_gather(idxQ, xsQ, xdQ, semGQ)

                @pl.when(i + 2 < NCHUNK)
                def _():
                    issue_fetch(i + 2, idxP, ofsP, semEP)

            pass

            @pl.when(i >= 1)
            def _():
                wait_scatter_den(sidxQ, esQ, edQ, semDQ)

            issue_scatter_rows(sidxP, xsP, xdP, semSP)
            issue_scatter_den(sidxP, esP, edP, semDP)

        bufA = (idx2a, sidx2a, ofs2a, semEa, xsa, xda, esa, eda,
                semGa, semSa, semDa)
        bufB = (idx2b, sidx2b, ofs2b, semEb, xsb, xdb, esb, edb,
                semGb, semSb, semDb)

        fetch_edges_sync(0, idx2a, ofs2a)
        issue_gather(idx2a, xsa, xda, semGa)
        issue_fetch(1, idx2b, ofs2b, semEb)

        def pair(t, carry):
            chunk_step(2 * t, bufA, bufB)
            chunk_step(2 * t + 1, bufB, bufA)
            return carry

        lax.fori_loop(0, NCHUNK // 2, pair, 0)

        wait_scatter_rows(sidx2a, xsa, xda, semSa)
        wait_scatter_rows(sidx2b, xsb, xdb, semSb)
        wait_scatter_den(sidx2b, esb, edb, semDb)

        plsc.subcore_barrier()

        def wout(i, carry):
            cid = i * NS + s

            @pl.when(cid < nrc)
            def _():
                b = cid * CH
                pltpu.sync_copy(numer_s.at[pl.ds(b, CH)],
                                numer_hbm.at[c, pl.ds(b, CH)])
                pltpu.sync_copy(denom_s.at[pl.ds(b, CH)],
                                denom_hbm.at[c, pl.ds(b, CH)])

            return carry

        lax.fori_loop(0, riters, wout, 0)

    return ek(x, edge_index, ofs2, w2)


def _combine(numer, denom):
    _, N, H = numer.shape
    BN = 2000

    def body(n_ref, d_ref, o_ref):
        n = n_ref[0] + n_ref[1]
        dd = d_ref[0, :, 0:1] + d_ref[1, :, 0:1]
        o_ref[...] = n / (dd + 1e-16)

    return pl.pallas_call(
        body,
        grid=(N // BN,),
        in_specs=[
            pl.BlockSpec((NC, BN, H), lambda i: (0, i, 0)),
            pl.BlockSpec((NC, BN, L), lambda i: (0, i, 0)),
        ],
        out_specs=pl.BlockSpec((BN, H), lambda i: (i, 0)),
        out_shape=jax.ShapeDtypeStruct((N, H), jnp.float32),
    )(numer, denom)


def kernel(node_embs, distance_embs, temporal_embs, alpha_src_w, alpha_dst_w,
           sess_idx, edge_index, edge_time, edge_dist):
    E = edge_index.shape[1]
    B = 6400 if E % 6400 == 0 else E
    NB = E // B
    cs3, cd3 = _edge_offsets(distance_embs, temporal_embs,
                             alpha_src_w.reshape(1, -1),
                             alpha_dst_w.reshape(1, -1),
                             edge_dist.reshape(NB, 1, B),
                             edge_time.reshape(NB, 1, B))
    x = _gather_rows(node_embs, sess_idx)
    w2 = jnp.stack([alpha_src_w, alpha_dst_w])
    ofs2 = jnp.stack([cs3.reshape(E), cd3.reshape(E)])
    numer, denom = _edge_pass(x, edge_index, ofs2, w2)
    return _combine(numer, denom)

# --- scband reference (transcript-rebuilt; emitter-appended) ---
"""Pipeline reference for scband-seq-encoder-31499290149127 (READ-ONLY COPY).

The authoritative reference and input builder live on the scoring server;
editing this copy changes nothing except your own understanding.
"""

import jax, jax.numpy as jnp
import numpy as np

N_NODES = 10000
N_EDGES = 320000
HID = 128
N_ITEMS = 50000
N_DIST = 64
N_TIME = 64


def setup_inputs(seed: int = 0) -> dict:
    key = jax.random.key(seed)
    ks = jax.random.split(key, 9)
    scale = (6.0 / (HID + 1)) ** 0.5  # xavier_uniform-ish scale for [1, HID] linear
    return {
        "node_embs": jax.random.normal(ks[0], (N_ITEMS, HID), dtype=jnp.float32),
        "distance_embs": jax.random.normal(ks[1], (N_DIST, HID), dtype=jnp.float32),
        "temporal_embs": jax.random.normal(ks[2], (N_TIME, HID), dtype=jnp.float32),
        "alpha_src_w": jax.random.uniform(ks[3], (HID,), dtype=jnp.float32, minval=-scale, maxval=scale),
        "alpha_dst_w": jax.random.uniform(ks[4], (HID,), dtype=jnp.float32, minval=-scale, maxval=scale),
        "sess_idx": jax.random.randint(ks[5], (N_NODES,), 0, N_ITEMS),
        "edge_index": jax.random.randint(ks[6], (2, N_EDGES), 0, N_NODES),
        "edge_time": jax.random.randint(ks[7], (N_EDGES,), 0, N_TIME),
        "edge_dist": jax.random.randint(ks[8], (N_EDGES,), 0, N_DIST),
    }


def _segment_softmax(logits, seg_ids, num_segments):
    seg_max = jax.ops.segment_max(logits, seg_ids, num_segments=num_segments)
    seg_max = jnp.where(jnp.isfinite(seg_max), seg_max, 0.0)
    seg_max = jax.lax.stop_gradient(seg_max)
    ex = jnp.exp(logits - seg_max[seg_ids])
    denom = jax.ops.segment_sum(ex, seg_ids, num_segments=num_segments)
    return ex / (denom[seg_ids] + 1e-16)


def reference(node_embs, distance_embs, temporal_embs, alpha_src_w, alpha_dst_w,
              sess_idx, edge_index, edge_time, edge_dist):
    # SeqConv forward (MessagePassing aggr='add', flow='source_to_target')
    x = node_embs[sess_idx]                       # [N, H] gather
    edge_l = distance_embs[edge_dist]             # [E, H] gather
    edge_t = temporal_embs[edge_time]             # [E, H] gather
    all_edges = jnp.concatenate([edge_index, edge_index[::-1]], axis=-1)  # [2, 2E]
    src = all_edges[0]  # edge_index_j (source of message)
    dst = all_edges[1]  # edge_index_i (target / aggregation index)
    x_j = x[src]                                  # [2E, H]
    x_i = x[dst]                                  # [2E, H]
    element_sim = x_j * x_i                       # [2E, H]
    E = edge_index.shape[1]
    src_logits = (element_sim[:E] + edge_l + edge_t) @ alpha_src_w  # [E]
    dst_logits = (element_sim[E:] + edge_l + edge_t) @ alpha_dst_w  # [E]
    tot_logits = jnp.concatenate([src_logits, dst_logits])          # [2E]
    attn_weight = _segment_softmax(tot_logits, dst, x.shape[0])     # softmax over incoming edges per dst node
    aggr_embs = x_j * attn_weight[:, None]        # [2E, H]
    seq_embs = jax.ops.segment_sum(aggr_embs, dst, num_segments=x.shape[0])  # scatter-add -> [N, H]
    return seq_embs

if __name__ == "__main__":
    import jax
    _d = setup_inputs()
    print(jax.jit(kernel)(*tuple(_d.values())))

</pallas_src>

<mosaic_0001>
#map = affine_map<(d0, d1) -> (0, 0)>
#map1 = affine_map<(d0, d1) -> (0, 0, 0)>
module attributes {stable_mosaic.version = 14 : i64} {
  func.func @ek(%arg0: i32, %arg1: i32, %arg2: memref<10000x128xf32, #tpu.memory_space<hbm>>, %arg3: memref<2x320000xi32, #tpu.memory_space<hbm>>, %arg4: memref<2x320000xf32, #tpu.memory_space<hbm>>, %arg5: memref<2x128xf32, #tpu.memory_space<hbm>>, %arg6: memref<2x10000x128xf32, #tpu.memory_space<hbm>>, %arg7: memref<2x10000x16xf32, #tpu.memory_space<hbm>>, %arg8: memref<2x40xi32, #tpu.memory_space<vmem>>, %arg9: memref<2x40xi32, #tpu.memory_space<vmem>>, %arg10: memref<2x40xi32, #tpu.memory_space<vmem>>, %arg11: memref<2x40xi32, #tpu.memory_space<vmem>>, %arg12: memref<2x48xf32, #tpu.memory_space<vmem>>, %arg13: memref<2x48xf32, #tpu.memory_space<vmem>>, %arg14: memref<40x128xf32, #tpu.memory_space<vmem>>, %arg15: memref<40x128xf32, #tpu.memory_space<vmem>>, %arg16: memref<40x128xf32, #tpu.memory_space<vmem>>, %arg17: memref<40x128xf32, #tpu.memory_space<vmem>>, %arg18: memref<40x16xf32, #tpu.memory_space<vmem>>, %arg19: memref<40x16xf32, #tpu.memory_space<vmem>>, %arg20: memref<40x16xf32, #tpu.memory_space<vmem>>, %arg21: memref<40x16xf32, #tpu.memory_space<vmem>>, %arg22: memref<128xf32, #tpu.memory_space<vmem>>, %arg23: memref<128xf32, #tpu.memory_space<vmem>>, %arg24: memref<!tpu.dma_semaphore, #tpu.memory_space<semaphore_mem>>, %arg25: memref<!tpu.dma_semaphore, #tpu.memory_space<semaphore_mem>>, %arg26: memref<!tpu.dma_semaphore, #tpu.memory_space<semaphore_mem>>, %arg27: memref<!tpu.dma_semaphore, #tpu.memory_space<semaphore_mem>>, %arg28: memref<!tpu.dma_semaphore, #tpu.memory_space<semaphore_mem>>, %arg29: memref<!tpu.dma_semaphore, #tpu.memory_space<semaphore_mem>>, %arg30: memref<!tpu.dma_semaphore, #tpu.memory_space<semaphore_mem>>, %arg31: memref<!tpu.dma_semaphore, #tpu.memory_space<semaphore_mem>>, %arg32: memref<10000x128xf32, #tpu.memory_space<vmem_shared>>, %arg33: memref<10000x16xf32, #tpu.memory_space<vmem_shared>>) attributes {dimension_semantics = [#tpu.dimension_semantics<core_parallel>, #tpu.dimension_semantics<subcore_parallel>], iteration_bounds = array<i64: 2, 16>, scalar_prefetch = 0 : i64, scratch_operands = 26 : i64, tpu.core_type = #tpu.core_type<sc_vector_subcore>, window_params = [{transform_indices = #map}, {transform_indices = #map}, {transform_indices = #map}, {transform_indices = #map}, {transform_indices = #map1}, {transform_indices = #map1}]} {
    %mul3A = arith.constant 2 : i32
    %mul3A_0 = arith.muli %arg1, %mul3A : i32
    %add3A = arith.addi %mul3A_0, %arg0 : i32
    %run_scoped3A = arith.constant 0 : i32
    "tpu.region"() ({
      %run_scoped3A_103 = tpu.sem_alloc : memref<!tpu.dma_semaphore, #tpu.memory_space<semaphore_mem>>
      %dma_start3A_104 = arith.constant 0 : i32
      %dma_start3A_105 = tpu.memref_slice %arg5[%run_scoped3A, %dma_start3A_104] : memref<2x128xf32, #tpu.memory_space<hbm>> -> memref<1x128xf32, #tpu.memory_space<hbm>>
      %dma_start3A_106 = tpu.memref_squeeze %dma_start3A_105 : memref<1x128xf32, #tpu.memory_space<hbm>> -> memref<128xf32, #tpu.memory_space<hbm>>
      %dma_start3A_107 = arith.constant 0 : i32
      %dma_start3A_108 = tpu.memref_slice %arg5[%run_scoped3A, %dma_start3A_107] : memref<2x128xf32, #tpu.memory_space<hbm>> -> memref<1x128xf32, #tpu.memory_space<hbm>>
      %dma_start3A_109 = tpu.memref_squeeze %dma_start3A_108 : memref<1x128xf32, #tpu.memory_space<hbm>> -> memref<128xf32, #tpu.memory_space<hbm>>
      tpu.enqueue_dma source(%dma_start3A_109 : memref<128xf32, #tpu.memory_space<hbm>>) target(%arg22 : memref<128xf32, #tpu.memory_space<vmem>>) target_semaphore(%run_scoped3A_103 : memref<!tpu.dma_semaphore, #tpu.memory_space<semaphore_mem>>)
      %dma_wait3A_110 = arith.constant 0 : i32
      %dma_wait3A_111 = tpu.memref_slice %arg5[%run_scoped3A, %dma_wait3A_110] : memref<2x128xf32, #tpu.memory_space<hbm>> -> memref<1x128xf32, #tpu.memory_space<hbm>>
      %dma_wait3A_112 = tpu.memref_squeeze %dma_wait3A_111 : memref<1x128xf32, #tpu.memory_space<hbm>> -> memref<128xf32, #tpu.memory_space<hbm>>
      %dma_wait3A_113 = arith.constant 0 : i32
      %dma_wait3A_114 = tpu.memref_slice %arg5[%run_scoped3A, %dma_wait3A_113] : memref<2x128xf32, #tpu.memory_space<hbm>> -> memref<1x128xf32, #tpu.memory_space<hbm>>
      %dma_wait3A_115 = tpu.memref_squeeze %dma_wait3A_114 : memref<1x128xf32, #tpu.memory_space<hbm>> -> memref<128xf32, #tpu.memory_space<hbm>>
      tpu.wait_dma2 semaphore(%run_scoped3A_103 : memref<!tpu.dma_semaphore, #tpu.memory_space<semaphore_mem>>) src(%dma_wait3A_115 : memref<128xf32, #tpu.memory_space<hbm>>) dst(%arg22 : memref<128xf32, #tpu.memory_space<vmem>>)
      tpu.yield
    }) : () -> ()
    %run_scoped3A_1 = arith.constant 1 : i32
    "tpu.region"() ({
      %run_scoped3A_103 = tpu.sem_alloc : memref<!tpu.dma_semaphore, #tpu.memory_space<semaphore_mem>>
      %dma_start3A_104 = arith.constant 0 : i32
      %dma_start3A_105 = tpu.memref_slice %arg5[%run_scoped3A_1, %dma_start3A_104] : memref<2x128xf32, #tpu.memory_space<hbm>> -> memref<1x128xf32, #tpu.memory_space<hbm>>
      %dma_start3A_106 = tpu.memref_squeeze %dma_start3A_105 : memref<1x128xf32, #tpu.memory_space<hbm>> -> memref<128xf32, #tpu.memory_space<hbm>>
      %dma_start3A_107 = arith.constant 0 : i32
      %dma_start3A_108 = tpu.memref_slice %arg5[%run_scoped3A_1, %dma_start3A_107] : memref<2x128xf32, #tpu.memory_space<hbm>> -> memref<1x128xf32, #tpu.memory_space<hbm>>
      %dma_start3A_109 = tpu.memref_squeeze %dma_start3A_108 : memref<1x128xf32, #tpu.memory_space<hbm>> -> memref<128xf32, #tpu.memory_space<hbm>>
      tpu.enqueue_dma source(%dma_start3A_109 : memref<128xf32, #tpu.memory_space<hbm>>) target(%arg23 : memref<128xf32, #tpu.memory_space<vmem>>) target_semaphore(%run_scoped3A_103 : memref<!tpu.dma_semaphore, #tpu.memory_space<semaphore_mem>>)
      %dma_wait3A_110 = arith.constant 0 : i32
      %dma_wait3A_111 = tpu.memref_slice %arg5[%run_scoped3A_1, %dma_wait3A_110] : memref<2x128xf32, #tpu.memory_space<hbm>> -> memref<1x128xf32, #tpu.memory_space<hbm>>
      %dma_wait3A_112 = tpu.memref_squeeze %dma_wait3A_111 : memref<1x128xf32, #tpu.memory_space<hbm>> -> memref<128xf32, #tpu.memory_space<hbm>>
      %dma_wait3A_113 = arith.constant 0 : i32
      %dma_wait3A_114 = tpu.memref_slice %arg5[%run_scoped3A_1, %dma_wait3A_113] : memref<2x128xf32, #tpu.memory_space<hbm>> -> memref<1x128xf32, #tpu.memory_space<hbm>>
      %dma_wait3A_115 = tpu.memref_squeeze %dma_wait3A_114 : memref<1x128xf32, #tpu.memory_space<hbm>> -> memref<128xf32, #tpu.memory_space<hbm>>
      tpu.wait_dma2 semaphore(%run_scoped3A_103 : memref<!tpu.dma_semaphore, #tpu.memory_space<semaphore_mem>>) src(%dma_wait3A_115 : memref<128xf32, #tpu.memory_space<hbm>>) dst(%arg23 : memref<128xf32, #tpu.memory_space<vmem>>)
      tpu.yield
    }) : () -> ()
    %broadcast_in_dim3A = arith.constant 0.000000e+00 : f32
    %broadcast_in_dim3A_2 = vector.broadcast %broadcast_in_dim3A : f32 to vector<16xf32>
    %scan3A = arith.constant 0 : i32
    %scan3A_3 = arith.constant 0 : i32
    %scan3A_4 = arith.constant 40 : i32
    %scan3A_5 = arith.addi %scan3A_3, %scan3A_4 : i32
    %scan3A_6 = arith.constant 1 : i32
    scf.for %scan3A_103 = %scan3A_3 to %scan3A_5 step %scan3A_6  : i32 {
      %swap3A = arith.index_cast %scan3A_103 : i32 to index
      %swap3A_104 = arith.constant 0 : index
      %swap3A_105 = tpu.vector_load %arg14[%swap3A, %swap3A_104] {strides = array<i32>} : memref<40x128xf32, #tpu.memory_space<vmem>>, vector<16xf32>,
      tpu.vector_store %arg14[%swap3A, %swap3A_104], %broadcast_in_dim3A_2 {strides = array<i32>} : memref<40x128xf32, #tpu.memory_space<vmem>>, vector<16xf32>,
      %swap3A_106 = arith.index_cast %scan3A_103 : i32 to index
      %swap3A_107 = arith.constant 16 : index
      %swap3A_108 = tpu.vector_load %arg14[%swap3A_106, %swap3A_107] {strides = array<i32>} : memref<40x128xf32, #tpu.memory_space<vmem>>, vector<16xf32>,
      tpu.vector_store %arg14[%swap3A_106, %swap3A_107], %broadcast_in_dim3A_2 {strides = array<i32>} : memref<40x128xf32, #tpu.memory_space<vmem>>, vector<16xf32>,
      %swap3A_109 = arith.index_cast %scan3A_103 : i32 to index
      %swap3A_110 = arith.constant 32 : index
      %swap3A_111 = tpu.vector_load %arg14[%swap3A_109, %swap3A_110] {strides = array<i32>} : memref<40x128xf32, #tpu.memory_space<vmem>>, vector<16xf32>,
      tpu.vector_store %arg14[%swap3A_109, %swap3A_110], %broadcast_in_dim3A_2 {strides = array<i32>} : memref<40x128xf32, #tpu.memory_space<vmem>>, vector<16xf32>,
      %swap3A_112 = arith.index_cast %scan3A_103 : i32 to index
      %swap3A_113 = arith.constant 48 : index
      %swap3A_114 = tpu.vector_load %arg14[%swap3A_112, %swap3A_113] {strides = array<i32>} : memref<40x128xf32, #tpu.memory_space<vmem>>, vector<16xf32>,
      tpu.vector_store %arg14[%swap3A_112, %swap3A_113], %broadcast_in_dim3A_2 {strides = array<i32>} : memref<40x128xf32, #tpu.memory_space<vmem>>, vector<16xf32>,
      %swap3A_115 = arith.index_cast %scan3A_103 : i32 to index
      %swap3A_116 = arith.constant 64 : index
      %swap3A_117 = tpu.vector_load %arg14[%swap3A_115, %swap3A_116] {strides = array<i32>} : memref<40x128xf32, #tpu.memory_space<vmem>>, vector<16xf32>,
      tpu.vector_store %arg14[%swap3A_115, %swap3A_116], %broadcast_in_dim3A_2 {strides = array<i32>} : memref<40x128xf32, #tpu.memory_space<vmem>>, vector<16xf32>,
      %swap3A_118 = arith.index_cast %scan3A_103 : i32 to index
      %swap3A_119 = arith.constant 80 : index
      %swap3A_120 = tpu.vector_load %arg14[%swap3A_118, %swap3A_119] {strides = array<i32>} : memref<40x128xf32, #tpu.memory_space<vmem>>, vector<16xf32>,
      tpu.vector_store %arg14[%swap3A_118, %swap3A_119], %broadcast_in_dim3A_2 {strides = array<i32>} : memref<40x128xf32, #tpu.memory_space<vmem>>, vector<16xf32>,
      %swap3A_121 = arith.index_cast %scan3A_103 : i32 to index
      %swap3A_122 = arith.constant 96 : index
      %swap3A_123 = tpu.vector_load %arg14[%swap3A_121, %swap3A_122] {strides = array<i32>} : memref<40x128xf32, #tpu.memory_space<vmem>>, vector<16xf32>,
      tpu.vector_store %arg14[%swap3A_121, %swap3A_122], %broadcast_in_dim3A_2 {strides = array<i32>} : memref<40x128xf32, #tpu.memory_space<vmem>>, vector<16xf32>,
      %swap3A_124 = arith.index_cast %scan3A_103 : i32 to index
      %swap3A_125 = arith.constant 112 : index
      %swap3A_126 = tpu.vector_load %arg14[%swap3A_124, %swap3A_125] {strides = array<i32>} : memref<40x128xf32, #tpu.memory_space<vmem>>, vector<16xf32>,
      tpu.vector_store %arg14[%swap3A_124, %swap3A_125], %broadcast_in_dim3A_2 {strides = array<i32>} : memref<40x128xf32, #tpu.memory_space<vmem>>, vector<16xf32>,
      %swap3A_127 = arith.index_cast %scan3A_103 : i32 to index
      %swap3A_128 = arith.constant 0 : index
      %swap3A_129 = tpu.vector_load %arg18[%swap3A_127, %swap3A_128] {strides = array<i32>} : memref<40x16xf32, #tpu.memory_space<vmem>>, vector<16xf32>,
      tpu.vector_store %arg18[%swap3A_127, %swap3A_128], %broadcast_in_dim3A_2 {strides = array<i32>} : memref<40x16xf32, #tpu.memory_space<vmem>>, vector<16xf32>,
    }
    %scan3A_7 = arith.constant 40 : i32
    %scan3A_8 = arith.constant 0 : i32
    %scan3A_9 = arith.constant 0 : i32
    %scan3A_10 = arith.constant 16 : i32
    %scan3A_11 = arith.addi %scan3A_9, %scan3A_10 : i32
    %scan3A_12 = arith.constant 1 : i32
    scf.for %scan3A_103 = %scan3A_9 to %scan3A_11 step %scan3A_12  : i32 {
      %mul3A_104 = arith.constant 16 : i32
      %mul3A_105 = arith.muli %scan3A_103, %mul3A_104 : i32
      %add3A_106 = arith.addi %mul3A_105, %arg1 : i32
      %lt3A = arith.constant 250 : i32
      %lt3A_107 = arith.cmpi slt, %add3A_106, %lt3A : i32
      %convert_element_type3A = arith.extui %lt3A_107 : i1 to i32
      %cond3A = arith.constant 0 : i32
      %cond3A_108 = arith.cmpi ne, %convert_element_type3A, %cond3A : i32
      scf.if %cond3A_108 {
        %mul3A_109 = arith.constant 40 : i32
        %mul3A_110 = arith.muli %add3A_106, %mul3A_109 : i32
        "tpu.region"() ({
          %run_scoped3A_111 = tpu.sem_alloc : memref<!tpu.dma_semaphore, #tpu.memory_space<semaphore_mem>>
          %dma_start3A_112 = arith.constant 0 : i32
          %dma_start3A_113 = tpu.memref_slice %arg32[%mul3A_110, %dma_start3A_112] : memref<10000x128xf32, #tpu.memory_space<vmem_shared>> -> memref<40x128xf32, #tpu.memory_space<vmem_shared>>
          %dma_start3A_114 = arith.constant 0 : i32
          %dma_start3A_115 = tpu.memref_slice %arg32[%mul3A_110, %dma_start3A_114] : memref<10000x128xf32, #tpu.memory_space<vmem_shared>> -> memref<40x128xf32, #tpu.memory_space<vmem_shared>>
          tpu.enqueue_dma source(%arg14 : memref<40x128xf32, #tpu.memory_space<vmem>>) target(%dma_start3A_115 : memref<40x128xf32, #tpu.memory_space<vmem_shared>>) target_semaphore(%run_scoped3A_111 : memref<!tpu.dma_semaphore, #tpu.memory_space<semaphore_mem>>)
          %dma_wait3A_116 = arith.constant 0 : i32
          %dma_wait3A_117 = tpu.memref_slice %arg32[%mul3A_110, %dma_wait3A_116] : memref<10000x128xf32, #tpu.memory_space<vmem_shared>> -> memref<40x128xf32, #tpu.memory_space<vmem_shared>>
          %dma_wait3A_118 = arith.constant 0 : i32
          %dma_wait3A_119 = tpu.memref_slice %arg32[%mul3A_110, %dma_wait3A_118] : memref<10000x128xf32, #tpu.memory_space<vmem_shared>> -> memref<40x128xf32, #tpu.memory_space<vmem_shared>>
          tpu.wait_dma2 semaphore(%run_scoped3A_111 : memref<!tpu.dma_semaphore, #tpu.memory_space<semaphore_mem>>) src(%arg14 : memref<40x128xf32, #tpu.memory_space<vmem>>) dst(%dma_wait3A_119 : memref<40x128xf32, #tpu.memory_space<vmem_shared>>)
          tpu.yield
        }) : () -> ()
        "tpu.region"() ({
          %run_scoped3A_111 = tpu.sem_alloc : memref<!tpu.dma_semaphore, #tpu.memory_space<semaphore_mem>>
          %dma_start3A_112 = arith.constant 0 : i32
          %dma_start3A_113 = tpu.memref_slice %arg33[%mul3A_110, %dma_start3A_112] : memref<10000x16xf32, #tpu.memory_space<vmem_shared>> -> memref<40x16xf32, #tpu.memory_space<vmem_shared>>
          %dma_start3A_114 = arith.constant 0 : i32
          %dma_start3A_115 = tpu.memref_slice %arg33[%mul3A_110, %dma_start3A_114] : memref<10000x16xf32, #tpu.memory_space<vmem_shared>> -> memref<40x16xf32, #tpu.memory_space<vmem_shared>>
          tpu.enqueue_dma source(%arg18 : memref<40x16xf32, #tpu.memory_space<vmem>>) target(%dma_start3A_115 : memref<40x16xf32, #tpu.memory_space<vmem_shared>>) target_semaphore(%run_scoped3A_111 : memref<!tpu.dma_semaphore, #tpu.memory_space<semaphore_mem>>)
          %dma_wait3A_116 = arith.constant 0 : i32
          %dma_wait3A_117 = tpu.memref_slice %arg33[%mul3A_110, %dma_wait3A_116] : memref<10000x16xf32, #tpu.memory_space<vmem_shared>> -> memref<40x16xf32, #tpu.memory_space<vmem_shared>>
          %dma_wait3A_118 = arith.constant 0 : i32
          %dma_wait3A_119 = tpu.memref_slice %arg33[%mul3A_110, %dma_wait3A_118] : memref<10000x16xf32, #tpu.memory_space<vmem_shared>> -> memref<40x16xf32, #tpu.memory_space<vmem_shared>>
          tpu.wait_dma2 semaphore(%run_scoped3A_111 : memref<!tpu.dma_semaphore, #tpu.memory_space<semaphore_mem>>) src(%arg18 : memref<40x16xf32, #tpu.memory_space<vmem>>) dst(%dma_wait3A_119 : memref<40x16xf32, #tpu.memory_space<vmem_shared>>)
          tpu.yield
        }) : () -> ()
      } else {
      }
    }
    %scan3A_13 = arith.constant 16 : i32
    %barrier3A = arith.constant 0 : index
    tpu.barrier barrier_id(%barrier3A)
    %mul3A_14 = arith.constant 10000 : i32
    %mul3A_15 = arith.muli %add3A, %mul3A_14 : i32
    %add3A_16 = arith.constant 0 : i32
    %add3A_17 = arith.addi %mul3A_15, %add3A_16 : i32
    "tpu.region"() ({
      %run_scoped3A_103 = tpu.sem_alloc : memref<!tpu.dma_semaphore, #tpu.memory_space<semaphore_mem>>
      %dma_start3A_104 = arith.constant 0 : i32
      %dma_start3A_105 = tpu.memref_slice %arg3[%dma_start3A_104, %add3A_17] : memref<2x320000xi32, #tpu.memory_space<hbm>> -> memref<2x40xi32, #tpu.memory_space<hbm>>
      %dma_start3A_106 = arith.constant 0 : i32
      %dma_start3A_107 = tpu.memref_slice %arg3[%dma_start3A_106, %add3A_17] : memref<2x320000xi32, #tpu.memory_space<hbm>> -> memref<2x40xi32, #tpu.memory_space<hbm>>
      tpu.enqueue_dma source(%dma_start3A_107 : memref<2x40xi32, #tpu.memory_space<hbm>>) target(%arg8 : memref<2x40xi32, #tpu.memory_space<vmem>>) target_semaphore(%run_scoped3A_103 : memref<!tpu.dma_semaphore, #tpu.memory_space<semaphore_mem>>)
      %dma_wait3A_108 = arith.constant 0 : i32
      %dma_wait3A_109 = tpu.memref_slice %arg3[%dma_wait3A_108, %add3A_17] : memref<2x320000xi32, #tpu.memory_space<hbm>> -> memref<2x40xi32, #tpu.memory_space<hbm>>
      %dma_wait3A_110 = arith.constant 0 : i32
      %dma_wait3A_111 = tpu.memref_slice %arg3[%dma_wait3A_110, %add3A_17] : memref<2x320000xi32, #tpu.memory_space<hbm>> -> memref<2x40xi32, #tpu.memory_space<hbm>>
      tpu.wait_dma2 semaphore(%run_scoped3A_103 : memref<!tpu.dma_semaphore, #tpu.memory_space<semaphore_mem>>) src(%dma_wait3A_111 : memref<2x40xi32, #tpu.memory_space<hbm>>) dst(%arg8 : memref<2x40xi32, #tpu.memory_space<vmem>>)
      tpu.yield
    }) : () -> ()
    "tpu.region"() ({
      %run_scoped3A_103 = tpu.sem_alloc : memref<!tpu.dma_semaphore, #tpu.memory_space<semaphore_mem>>
      %dma_start3A_104 = arith.constant 0 : i32
      %dma_start3A_105 = arith.constant 0 : i32
      %dma_start3A_106 = tpu.memref_slice %arg12[%dma_start3A_104, %dma_start3A_105] : memref<2x48xf32, #tpu.memory_space<vmem>> -> memref<2x40xf32, #tpu.memory_space<vmem>>
      %dma_start3A_107 = arith.constant 0 : i32
      %dma_start3A_108 = tpu.memref_slice %arg4[%dma_start3A_107, %add3A_17] : memref<2x320000xf32, #tpu.memory_space<hbm>> -> memref<2x40xf32, #tpu.memory_space<hbm>>
      %dma_start3A_109 = arith.constant 0 : i32
      %dma_start3A_110 = arith.constant 0 : i32
      %dma_start3A_111 = tpu.memref_slice %arg12[%dma_start3A_109, %dma_start3A_110] : memref<2x48xf32, #tpu.memory_space<vmem>> -> memref<2x40xf32, #tpu.memory_space<vmem>>
      %dma_start3A_112 = arith.constant 0 : i32
      %dma_start3A_113 = tpu.memref_slice %arg4[%dma_start3A_112, %add3A_17] : memref<2x320000xf32, #tpu.memory_space<hbm>> -> memref<2x40xf32, #tpu.memory_space<hbm>>
      tpu.enqueue_dma source(%dma_start3A_113 : memref<2x40xf32, #tpu.memory_space<hbm>>) target(%dma_start3A_111 : memref<2x40xf32, #tpu.memory_space<vmem>>) target_semaphore(%run_scoped3A_103 : memref<!tpu.dma_semaphore, #tpu.memory_space<semaphore_mem>>)
      %dma_wait3A_114 = arith.constant 0 : i32
      %dma_wait3A_115 = arith.constant 0 : i32
      %dma_wait3A_116 = tpu.memref_slice %arg12[%dma_wait3A_114, %dma_wait3A_115] : memref<2x48xf32, #tpu.memory_space<vmem>> -> memref<2x40xf32, #tpu.memory_space<vmem>>
      %dma_wait3A_117 = arith.constant 0 : i32
      %dma_wait3A_118 = tpu.memref_slice %arg4[%dma_wait3A_117, %add3A_17] : memref<2x320000xf32, #tpu.memory_space<hbm>> -> memref<2x40xf32, #tpu.memory_space<hbm>>
      %dma_wait3A_119 = arith.constant 0 : i32
      %dma_wait3A_120 = arith.constant 0 : i32
      %dma_wait3A_121 = tpu.memref_slice %arg12[%dma_wait3A_119, %dma_wait3A_120] : memref<2x48xf32, #tpu.memory_space<vmem>> -> memref<2x40xf32, #tpu.memory_space<vmem>>
      %dma_wait3A_122 = arith.constant 0 : i32
      %dma_wait3A_123 = tpu.memref_slice %arg4[%dma_wait3A_122, %add3A_17] : memref<2x320000xf32, #tpu.memory_space<hbm>> -> memref<2x40xf32, #tpu.memory_space<hbm>>
      tpu.wait_dma2 semaphore(%run_scoped3A_103 : memref<!tpu.dma_semaphore, #tpu.memory_space<semaphore_mem>>) src(%dma_wait3A_123 : memref<2x40xf32, #tpu.memory_space<hbm>>) dst(%dma_wait3A_121 : memref<2x40xf32, #tpu.memory_space<vmem>>)
      tpu.yield
    }) : () -> ()
    %dma_start3A = arith.constant 0 : i32
    %dma_start3A_18 = arith.constant 0 : i32
    %dma_start3A_19 = tpu.memref_slice %arg8[%dma_start3A, %dma_start3A_18] : memref<2x40xi32, #tpu.memory_space<vmem>> -> memref<1x40xi32, #tpu.memory_space<vmem>>
    %dma_start3A_20 = tpu.memref_squeeze %dma_start3A_19 : memref<1x40xi32, #tpu.memory_space<vmem>> -> memref<40xi32, #tpu.memory_space<vmem>>
    %dma_start3A_21 = arith.constant 0 : i32
    %dma_start3A_22 = arith.constant 0 : i32
    %dma_start3A_23 = tpu.memref_slice %arg2[%dma_start3A_21, %dma_start3A_22] : memref<10000x128xf32, #tpu.memory_space<hbm>> -> memref<10000x128xf32, #tpu.memory_space<hbm>>
    tpu.enqueue_indirect_dma source(%dma_start3A_23 : memref<10000x128xf32, #tpu.memory_space<hbm>>) target(%arg14 : memref<40x128xf32, #tpu.memory_space<vmem>>) offsets(%dma_start3A_20 : memref<40xi32, #tpu.memory_space<vmem>>) semaphore(%arg24 : memref<!tpu.dma_semaphore, #tpu.memory_space<semaphore_mem>>)
    %dma_start3A_24 = arith.constant 1 : i32
    %dma_start3A_25 = arith.constant 0 : i32
    %dma_start3A_26 = tpu.memref_slice %arg8[%dma_start3A_24, %dma_start3A_25] : memref<2x40xi32, #tpu.memory_space<vmem>> -> memref<1x40xi32, #tpu.memory_space<vmem>>
    %dma_start3A_27 = tpu.memref_squeeze %dma_start3A_26 : memref<1x40xi32, #tpu.memory_space<vmem>> -> memref<40xi32, #tpu.memory_space<vmem>>
    %dma_start3A_28 = arith.constant 0 : i32
    %dma_start3A_29 = arith.constant 0 : i32
    %dma_start3A_30 = tpu.memref_slice %arg2[%dma_start3A_28, %dma_start3A_29] : memref<10000x128xf32, #tpu.memory_space<hbm>> -> memref<10000x128xf32, #tpu.memory_space<hbm>>
    tpu.enqueue_indirect_dma source(%dma_start3A_30 : memref<10000x128xf32, #tpu.memory_space<hbm>>) target(%arg16 : memref<40x128xf32, #tpu.memory_space<vmem>>) offsets(%dma_start3A_27 : memref<40xi32, #tpu.memory_space<vmem>>) semaphore(%arg24 : memref<!tpu.dma_semaphore, #tpu.memory_space<semaphore_mem>>)
    %mul3A_31 = arith.constant 10000 : i32
    %mul3A_32 = arith.muli %add3A, %mul3A_31 : i32
    %add3A_33 = arith.constant 40 : i32
    %add3A_34 = arith.addi %mul3A_32, %add3A_33 : i32
    %dma_start3A_35 = arith.constant 0 : i32
    %dma_start3A_36 = tpu.memref_slice %arg3[%dma_start3A_35, %add3A_34] : memref<2x320000xi32, #tpu.memory_space<hbm>> -> memref<2x40xi32, #tpu.memory_space<hbm>>
    %dma_start3A_37 = arith.constant 0 : i32
    %dma_start3A_38 = tpu.memref_slice %arg3[%dma_start3A_37, %add3A_34] : memref<2x320000xi32, #tpu.memory_space<hbm>> -> memref<2x40xi32, #tpu.memory_space<hbm>>
    tpu.enqueue_dma source(%dma_start3A_38 : memref<2x40xi32, #tpu.memory_space<hbm>>) target(%arg9 : memref<2x40xi32, #tpu.memory_space<vmem>>) target_semaphore(%arg29 : memref<!tpu.dma_semaphore, #tpu.memory_space<semaphore_mem>>)
    %dma_start3A_39 = arith.constant 0 : i32
    %dma_start3A_40 = arith.constant 0 : i32
    %dma_start3A_41 = tpu.memref_slice %arg13[%dma_start3A_39, %dma_start3A_40] : memref<2x48xf32, #tpu.memory_space<vmem>> -> memref<2x40xf32, #tpu.memory_space<vmem>>
    %dma_start3A_42 = arith.constant 0 : i32
    %dma_start3A_43 = tpu.memref_slice %arg4[%dma_start3A_42, %add3A_34] : memref<2x320000xf32, #tpu.memory_space<hbm>> -> memref<2x40xf32, #tpu.memory_space<hbm>>
    %dma_start3A_44 = arith.constant 0 : i32
    %dma_start3A_45 = arith.constant 0 : i32
    %dma_start3A_46 = tpu.memref_slice %arg13[%dma_start3A_44, %dma_start3A_45] : memref<2x48xf32, #tpu.memory_space<vmem>> -> memref<2x40xf32, #tpu.memory_space<vmem>>
    %dma_start3A_47 = arith.constant 0 : i32
    %dma_start3A_48 = tpu.memref_slice %arg4[%dma_start3A_47, %add3A_34] : memref<2x320000xf32, #tpu.memory_space<hbm>> -> memref<2x40xf32, #tpu.memory_space<hbm>>
    tpu.enqueue_dma source(%dma_start3A_48 : memref<2x40xf32, #tpu.memory_space<hbm>>) target(%dma_start3A_46 : memref<2x40xf32, #tpu.memory_space<vmem>>) target_semaphore(%arg29 : memref<!tpu.dma_semaphore, #tpu.memory_space<semaphore_mem>>)
    %scan3A_49 = arith.constant 0 : i32
    %scan3A_50 = arith.constant 0 : i32
    %scan3A_51 = arith.constant 125 : i32
    %scan3A_52 = arith.addi %scan3A_50, %scan3A_51 : i32
    %scan3A_53 = arith.constant 1 : i32
    scf.for %scan3A_103 = %scan3A_50 to %scan3A_52 step %scan3A_53  : i32 {
      %mul3A_104 = arith.constant 2 : i32
      %mul3A_105 = arith.muli %mul3A_104, %scan3A_103 : i32
      %dma_wait3A_106 = arith.constant 0 : i32
      %dma_wait3A_107 = arith.constant 0 : i32
      %dma_wait3A_108 = tpu.memref_slice %arg8[%dma_wait3A_106, %dma_wait3A_107] : memref<2x40xi32, #tpu.memory_space<vmem>> -> memref<1x40xi32, #tpu.memory_space<vmem>>
      %dma_wait3A_109 = tpu.memref_squeeze %dma_wait3A_108 : memref<1x40xi32, #tpu.memory_space<vmem>> -> memref<40xi32, #tpu.memory_space<vmem>>
      %dma_wait3A_110 = arith.constant 0 : i32
      %dma_wait3A_111 = arith.constant 0 : i32
      %dma_wait3A_112 = tpu.memref_slice %arg2[%dma_wait3A_110, %dma_wait3A_111] : memref<10000x128xf32, #tpu.memory_space<hbm>> -> memref<10000x128xf32, #tpu.memory_space<hbm>>
      tpu.wait_indirect_dma semaphore(%arg24 : memref<!tpu.dma_semaphore, #tpu.memory_space<semaphore_mem>>) src(%dma_wait3A_112 : memref<10000x128xf32, #tpu.memory_space<hbm>>) dst(%arg14 : memref<40x128xf32, #tpu.memory_space<vmem>>)
      %dma_wait3A_113 = arith.constant 1 : i32
      %dma_wait3A_114 = arith.constant 0 : i32
      %dma_wait3A_115 = tpu.memref_slice %arg8[%dma_wait3A_113, %dma_wait3A_114] : memref<2x40xi32, #tpu.memory_space<vmem>> -> memref<1x40xi32, #tpu.memory_space<vmem>>
      %dma_wait3A_116 = tpu.memref_squeeze %dma_wait3A_115 : memref<1x40xi32, #tpu.memory_space<vmem>> -> memref<40xi32, #tpu.memory_space<vmem>>
      %dma_wait3A_117 = arith.constant 0 : i32
      %dma_wait3A_118 = arith.constant 0 : i32
      %dma_wait3A_119 = tpu.memref_slice %arg2[%dma_wait3A_117, %dma_wait3A_118] : memref<10000x128xf32, #tpu.memory_space<hbm>> -> memref<10000x128xf32, #tpu.memory_space<hbm>>
      tpu.wait_indirect_dma semaphore(%arg24 : memref<!tpu.dma_semaphore, #tpu.memory_space<semaphore_mem>>) src(%dma_wait3A_119 : memref<10000x128xf32, #tpu.memory_space<hbm>>) dst(%arg16 : memref<40x128xf32, #tpu.memory_space<vmem>>)
      %get3A = arith.constant 0 : i32
      %get3A_120 = arith.index_cast %get3A : i32 to index
      %get3A_121 = arith.constant 0 : index
      %get3A_122 = tpu.vector_load %arg8[%get3A_120, %get3A_121] {strides = array<i32>} : memref<2x40xi32, #tpu.memory_space<vmem>>, vector<16xi32>,
      %swap3A = arith.constant 0 : i32
      %swap3A_123 = arith.index_cast %swap3A : i32 to index
      %swap3A_124 = arith.constant 0 : index
      %swap3A_125 = tpu.vector_load %arg10[%swap3A_123, %swap3A_124] {strides = array<i32>} : memref<2x40xi32, #tpu.memory_space<vmem>>, vector<16xi32>,
      tpu.vector_store %arg10[%swap3A_123, %swap3A_124], %get3A_122 {strides = array<i32>} : memref<2x40xi32, #tpu.memory_space<vmem>>, vector<16xi32>,
      %get3A_126 = arith.constant 0 : i32
      %get3A_127 = arith.index_cast %get3A_126 : i32 to index
      %get3A_128 = arith.constant 16 : index
      %get3A_129 = tpu.vector_load %arg8[%get3A_127, %get3A_128] {strides = array<i32>} : memref<2x40xi32, #tpu.memory_space<vmem>>, vector<16xi32>,
      %swap3A_130 = arith.constant 0 : i32
      %swap3A_131 = arith.index_cast %swap3A_130 : i32 to index
      %swap3A_132 = arith.constant 16 : index
      %swap3A_133 = tpu.vector_load %arg10[%swap3A_131, %swap3A_132] {strides = array<i32>} : memref<2x40xi32, #tpu.memory_space<vmem>>, vector<16xi32>,
      tpu.vector_store %arg10[%swap3A_131, %swap3A_132], %get3A_129 {strides = array<i32>} : memref<2x40xi32, #tpu.memory_space<vmem>>, vector<16xi32>,
      %get3A_134 = arith.constant 0 : i32
      %get3A_135 = arith.index_cast %get3A_134 : i32 to index
      %get3A_136 = arith.constant 24 : index
      %get3A_137 = tpu.vector_load %arg8[%get3A_135, %get3A_136] {strides = array<i32>} : memref<2x40xi32, #tpu.memory_space<vmem>>, vector<16xi32>,
      %swap3A_138 = arith.constant 0 : i32
      %swap3A_139 = arith.index_cast %swap3A_138 : i32 to index
      %swap3A_140 = arith.constant 24 : index
      %swap3A_141 = tpu.vector_load %arg10[%swap3A_139, %swap3A_140] {strides = array<i32>} : memref<2x40xi32, #tpu.memory_space<vmem>>, vector<16xi32>,
      tpu.vector_store %arg10[%swap3A_139, %swap3A_140], %get3A_137 {strides = array<i32>} : memref<2x40xi32, #tpu.memory_space<vmem>>, vector<16xi32>,
      %get3A_142 = arith.constant 1 : i32
      %get3A_143 = arith.index_cast %get3A_142 : i32 to index
      %get3A_144 = arith.constant 0 : index
      %get3A_145 = tpu.vector_load %arg8[%get3A_143, %get3A_144] {strides = array<i32>} : memref<2x40xi32, #tpu.memory_space<vmem>>, vector<16xi32>,
      %swap3A_146 = arith.constant 1 : i32
      %swap3A_147 = arith.index_cast %swap3A_146 : i32 to index
      %swap3A_148 = arith.constant 0 : index
      %swap3A_149 = tpu.vector_load %arg10[%swap3A_147, %swap3A_148] {strides = array<i32>} : memref<2x40xi32, #tpu.memory_space<vmem>>, vector<16xi32>,
      tpu.vector_store %arg10[%swap3A_147, %swap3A_148], %get3A_145 {strides = array<i32>} : memref<2x40xi32, #tpu.memory_space<vmem>>, vector<16xi32>,
      %get3A_150 = arith.constant 1 : i32
      %get3A_151 = arith.index_cast %get3A_150 : i32 to index
      %get3A_152 = arith.constant 16 : index
      %get3A_153 = tpu.vector_load %arg8[%get3A_151, %get3A_152] {strides = array<i32>} : memref<2x40xi32, #tpu.memory_space<vmem>>, vector<16xi32>,
      %swap3A_154 = arith.constant 1 : i32
      %swap3A_155 = arith.index_cast %swap3A_154 : i32 to index
      %swap3A_156 = arith.constant 16 : index
      %swap3A_157 = tpu.vector_load %arg10[%swap3A_155, %swap3A_156] {strides = array<i32>} : memref<2x40xi32, #tpu.memory_space<vmem>>, vector<16xi32>,
      tpu.vector_store %arg10[%swap3A_155, %swap3A_156], %get3A_153 {strides = array<i32>} : memref<2x40xi32, #tpu.memory_space<vmem>>, vector<16xi32>,
      %get3A_158 = arith.constant 1 : i32
      %get3A_159 = arith.index_cast %get3A_158 : i32 to index
      %get3A_160 = arith.constant 24 : index
      %get3A_161 = tpu.vector_load %arg8[%get3A_159, %get3A_160] {strides = array<i32>} : memref<2x40xi32, #tpu.memory_space<vmem>>, vector<16xi32>,
      %swap3A_162 = arith.constant 1 : i32
      %swap3A_163 = arith.index_cast %swap3A_162 : i32 to index
      %swap3A_164 = arith.constant 24 : index
      %swap3A_165 = tpu.vector_load %arg10[%swap3A_163, %swap3A_164] {strides = array<i32>} : memref<2x40xi32, #tpu.memory_space<vmem>>, vector<16xi32>,
      tpu.vector_store %arg10[%swap3A_163, %swap3A_164], %get3A_161 {strides = array<i32>} : memref<2x40xi32, #tpu.memory_space<vmem>>, vector<16xi32>,
      %get3A_166 = arith.constant 0 : i32
      %get3A_167 = arith.index_cast %get3A_166 : i32 to index
      %get3A_168 = arith.constant 0 : index
      %get3A_169 = tpu.vector_load %arg12[%get3A_167, %get3A_168] {strides = array<i32>} : memref<2x48xf32, #tpu.memory_space<vmem>>, vector<16xf32>,
      %get3A_170 = arith.constant 1 : i32
      %get3A_171 = arith.index_cast %get3A_170 : i32 to index
      %get3A_172 = arith.constant 0 : index
      %get3A_173 = tpu.vector_load %arg12[%get3A_171, %get3A_172] {strides = array<i32>} : memref<2x48xf32, #tpu.memory_space<vmem>>, vector<16xf32>,
      %get3A_174 = arith.constant 0 : i32
      %get3A_175 = arith.index_cast %get3A_174 : i32 to index
      %get3A_176 = arith.constant 16 : index
      %get3A_177 = tpu.vector_load %arg12[%get3A_175, %get3A_176] {strides = array<i32>} : memref<2x48xf32, #tpu.memory_space<vmem>>, vector<16xf32>,
      %get3A_178 = arith.constant 1 : i32
      %get3A_179 = arith.index_cast %get3A_178 : i32 to index
      %get3A_180 = arith.constant 16 : index
      %get3A_181 = tpu.vector_load %arg12[%get3A_179, %get3A_180] {strides = array<i32>} : memref<2x48xf32, #tpu.memory_space<vmem>>, vector<16xf32>,
      %get3A_182 = arith.constant 0 : i32
      %get3A_183 = arith.index_cast %get3A_182 : i32 to index
      %get3A_184 = arith.constant 32 : index
      %get3A_185 = tpu.vector_load %arg12[%get3A_183, %get3A_184] {strides = array<i32>} : memref<2x48xf32, #tpu.memory_space<vmem>>, vector<16xf32>,
      %get3A_186 = arith.constant 1 : i32
      %get3A_187 = arith.index_cast %get3A_186 : i32 to index
      %get3A_188 = arith.constant 32 : index
      %get3A_189 = tpu.vector_load %arg12[%get3A_187, %get3A_188] {strides = array<i32>} : memref<2x48xf32, #tpu.memory_space<vmem>>, vector<16xf32>,
      %add3A_190 = arith.constant 1 : i32
      %add3A_191 = arith.addi %mul3A_105, %add3A_190 : i32
      %lt3A = arith.constant 250 : i32
      %lt3A_192 = arith.cmpi slt, %add3A_191, %lt3A : i32
      %convert_element_type3A = arith.extui %lt3A_192 : i1 to i32
      %cond3A = arith.constant 0 : i32
      %cond3A_193 = arith.cmpi ne, %convert_element_type3A, %cond3A : i32
      scf.if %cond3A_193 {
        %ge3A_356 = arith.constant 1 : i32
        %ge3A_357 = arith.cmpi sge, %mul3A_105, %ge3A_356 : i32
        %convert_element_type3A_358 = arith.extui %ge3A_357 : i1 to i32
        %cond3A_359 = arith.constant 0 : i32
        %cond3A_360 = arith.cmpi ne, %convert_element_type3A_358, %cond3A_359 : i32
        scf.if %cond3A_360 {
          %dma_wait3A_403 = arith.constant 1 : i32
          %dma_wait3A_404 = arith.constant 0 : i32
          %dma_wait3A_405 = tpu.memref_slice %arg11[%dma_wait3A_403, %dma_wait3A_404] : memref<2x40xi32, #tpu.memory_space<vmem>> -> memref<1x40xi32, #tpu.memory_space<vmem>>
          %dma_wait3A_406 = tpu.memref_squeeze %dma_wait3A_405 : memref<1x40xi32, #tpu.memory_space<vmem>> -> memref<40xi32, #tpu.memory_space<vmem>>
          %dma_wait3A_407 = arith.constant 0 : i32
          %dma_wait3A_408 = arith.constant 0 : i32
          %dma_wait3A_409 = tpu.memref_slice %arg32[%dma_wait3A_407, %dma_wait3A_408] : memref<10000x128xf32, #tpu.memory_space<vmem_shared>> -> memref<10000x128xf32, #tpu.memory_space<vmem_shared>>
          tpu.wait_indirect_dma semaphore(%arg27 : memref<!tpu.dma_semaphore, #tpu.memory_space<semaphore_mem>>) src(%arg15 : memref<40x128xf32, #tpu.memory_space<vmem>>) dst(%dma_wait3A_409 : memref<10000x128xf32, #tpu.memory_space<vmem_shared>>)
          %dma_wait3A_410 = arith.constant 0 : i32
          %dma_wait3A_411 = arith.constant 0 : i32
          %dma_wait3A_412 = tpu.memref_slice %arg11[%dma_wait3A_410, %dma_wait3A_411] : memref<2x40xi32, #tpu.memory_space<vmem>> -> memref<1x40xi32, #tpu.memory_space<vmem>>
          %dma_wait3A_413 = tpu.memref_squeeze %dma_wait3A_412 : memref<1x40xi32, #tpu.memory_space<vmem>> -> memref<40xi32, #tpu.memory_space<vmem>>
          %dma_wait3A_414 = arith.constant 0 : i32
          %dma_wait3A_415 = arith.constant 0 : i32
          %dma_wait3A_416 = tpu.memref_slice %arg32[%dma_wait3A_414, %dma_wait3A_415] : memref<10000x128xf32, #tpu.memory_space<vmem_shared>> -> memref<10000x128xf32, #tpu.memory_space<vmem_shared>>
          tpu.wait_indirect_dma semaphore(%arg27 : memref<!tpu.dma_semaphore, #tpu.memory_space<semaphore_mem>>) src(%arg17 : memref<40x128xf32, #tpu.memory_space<vmem>>) dst(%dma_wait3A_416 : memref<10000x128xf32, #tpu.memory_space<vmem_shared>>)
        } else {
        }
        %add3A_361 = arith.constant 1 : i32
        %add3A_362 = arith.addi %mul3A_105, %add3A_361 : i32
        %mul3A_363 = arith.constant 10000 : i32
        %mul3A_364 = arith.muli %add3A, %mul3A_363 : i32
        %mul3A_365 = arith.constant 40 : i32
        %mul3A_366 = arith.muli %add3A_362, %mul3A_365 : i32
        %add3A_367 = arith.addi %mul3A_364, %mul3A_366 : i32
        %dma_wait3A_368 = arith.constant 0 : i32
        %dma_wait3A_369 = tpu.memref_slice %arg3[%dma_wait3A_368, %add3A_367] : memref<2x320000xi32, #tpu.memory_space<hbm>> -> memref<2x40xi32, #tpu.memory_space<hbm>>
        %dma_wait3A_370 = arith.constant 0 : i32
        %dma_wait3A_371 = tpu.memref_slice %arg3[%dma_wait3A_370, %add3A_367] : memref<2x320000xi32, #tpu.memory_space<hbm>> -> memref<2x40xi32, #tpu.memory_space<hbm>>
        tpu.wait_dma2 semaphore(%arg29 : memref<!tpu.dma_semaphore, #tpu.memory_space<semaphore_mem>>) src(%dma_wait3A_371 : memref<2x40xi32, #tpu.memory_space<hbm>>) dst(%arg9 : memref<2x40xi32, #tpu.memory_space<vmem>>)
        %dma_wait3A_372 = arith.constant 0 : i32
        %dma_wait3A_373 = arith.constant 0 : i32
        %dma_wait3A_374 = tpu.memref_slice %arg13[%dma_wait3A_372, %dma_wait3A_373] : memref<2x48xf32, #tpu.memory_space<vmem>> -> memref<2x40xf32, #tpu.memory_space<vmem>>
        %dma_wait3A_375 = arith.constant 0 : i32
        %dma_wait3A_376 = tpu.memref_slice %arg4[%dma_wait3A_375, %add3A_367] : memref<2x320000xf32, #tpu.memory_space<hbm>> -> memref<2x40xf32, #tpu.memory_space<hbm>>
        %dma_wait3A_377 = arith.constant 0 : i32
        %dma_wait3A_378 = arith.constant 0 : i32
        %dma_wait3A_379 = tpu.memref_slice %arg13[%dma_wait3A_377, %dma_wait3A_378] : memref<2x48xf32, #tpu.memory_space<vmem>> -> memref<2x40xf32, #tpu.memory_space<vmem>>
        %dma_wait3A_380 = arith.constant 0 : i32
        %dma_wait3A_381 = tpu.memref_slice %arg4[%dma_wait3A_380, %add3A_367] : memref<2x320000xf32, #tpu.memory_space<hbm>> -> memref<2x40xf32, #tpu.memory_space<hbm>>
        tpu.wait_dma2 semaphore(%arg29 : memref<!tpu.dma_semaphore, #tpu.memory_space<semaphore_mem>>) src(%dma_wait3A_381 : memref<2x40xf32, #tpu.memory_space<hbm>>) dst(%dma_wait3A_379 : memref<2x40xf32, #tpu.memory_space<vmem>>)
        %dma_start3A_382 = arith.constant 0 : i32
        %dma_start3A_383 = arith.constant 0 : i32
        %dma_start3A_384 = tpu.memref_slice %arg9[%dma_start3A_382, %dma_start3A_383] : memref<2x40xi32, #tpu.memory_space<vmem>> -> memref<1x40xi32, #tpu.memory_space<vmem>>
        %dma_start3A_385 = tpu.memref_squeeze %dma_start3A_384 : memref<1x40xi32, #tpu.memory_space<vmem>> -> memref<40xi32, #tpu.memory_space<vmem>>
        %dma_start3A_386 = arith.constant 0 : i32
        %dma_start3A_387 = arith.constant 0 : i32
        %dma_start3A_388 = tpu.memref_slice %arg2[%dma_start3A_386, %dma_start3A_387] : memref<10000x128xf32, #tpu.memory_space<hbm>> -> memref<10000x128xf32, #tpu.memory_space<hbm>>
        tpu.enqueue_indirect_dma source(%dma_start3A_388 : memref<10000x128xf32, #tpu.memory_space<hbm>>) target(%arg15 : memref<40x128xf32, #tpu.memory_space<vmem>>) offsets(%dma_start3A_385 : memref<40xi32, #tpu.memory_space<vmem>>) semaphore(%arg25 : memref<!tpu.dma_semaphore, #tpu.memory_space<semaphore_mem>>)
        %dma_start3A_389 = arith.constant 1 : i32
        %dma_start3A_390 = arith.constant 0 : i32
        %dma_start3A_391 = tpu.memref_slice %arg9[%dma_start3A_389, %dma_start3A_390] : memref<2x40xi32, #tpu.memory_space<vmem>> -> memref<1x40xi32, #tpu.memory_space<vmem>>
        %dma_start3A_392 = tpu.memref_squeeze %dma_start3A_391 : memref<1x40xi32, #tpu.memory_space<vmem>> -> memref<40xi32, #tpu.memory_space<vmem>>
        %dma_start3A_393 = arith.constant 0 : i32
        %dma_start3A_394 = arith.constant 0 : i32
        %dma_start3A_395 = tpu.memref_slice %arg2[%dma_start3A_393, %dma_start3A_394] : memref<10000x128xf32, #tpu.memory_space<hbm>> -> memref<10000x128xf32, #tpu.memory_space<hbm>>
        tpu.enqueue_indirect_dma source(%dma_start3A_395 : memref<10000x128xf32, #tpu.memory_space<hbm>>) target(%arg17 : memref<40x128xf32, #tpu.memory_space<vmem>>) offsets(%dma_start3A_392 : memref<40xi32, #tpu.memory_space<vmem>>) semaphore(%arg25 : memref<!tpu.dma_semaphore, #tpu.memory_space<semaphore_mem>>)
        %add3A_396 = arith.constant 2 : i32
        %add3A_397 = arith.addi %mul3A_105, %add3A_396 : i32
        %lt3A_398 = arith.constant 250 : i32
        %lt3A_399 = arith.cmpi slt, %add3A_397, %lt3A_398 : i32
        %convert_element_type3A_400 = arith.extui %lt3A_399 : i1 to i32
        %cond3A_401 = arith.constant 0 : i32
        %cond3A_402 = arith.cmpi ne, %convert_element_type3A_400, %cond3A_401 : i32
        scf.if %cond3A_402 {
          %add3A_403 = arith.constant 2 : i32
          %add3A_404 = arith.addi %mul3A_105, %add3A_403 : i32
          %mul3A_405 = arith.constant 10000 : i32
          %mul3A_406 = arith.muli %add3A, %mul3A_405 : i32
          %mul3A_407 = arith.constant 40 : i32
          %mul3A_408 = arith.muli %add3A_404, %mul3A_407 : i32
          %add3A_409 = arith.addi %mul3A_406, %mul3A_408 : i32
          %dma_start3A_410 = arith.constant 0 : i32
          %dma_start3A_411 = tpu.memref_slice %arg3[%dma_start3A_410, %add3A_409] : memref<2x320000xi32, #tpu.memory_space<hbm>> -> memref<2x40xi32, #tpu.memory_space<hbm>>
          %dma_start3A_412 = arith.constant 0 : i32
          %dma_start3A_413 = tpu.memref_slice %arg3[%dma_start3A_412, %add3A_409] : memref<2x320000xi32, #tpu.memory_space<hbm>> -> memref<2x40xi32, #tpu.memory_space<hbm>>
          tpu.enqueue_dma source(%dma_start3A_413 : memref<2x40xi32, #tpu.memory_space<hbm>>) target(%arg8 : memref<2x40xi32, #tpu.memory_space<vmem>>) target_semaphore(%arg28 : memref<!tpu.dma_semaphore, #tpu.memory_space<semaphore_mem>>)
          %dma_start3A_414 = arith.constant 0 : i32
          %dma_start3A_415 = arith.constant 0 : i32
          %dma_start3A_416 = tpu.memref_slice %arg12[%dma_start3A_414, %dma_start3A_415] : memref<2x48xf32, #tpu.memory_space<vmem>> -> memref<2x40xf32, #tpu.memory_space<vmem>>
          %dma_start3A_417 = arith.constant 0 : i32
          %dma_start3A_418 = tpu.memref_slice %arg4[%dma_start3A_417, %add3A_409] : memref<2x320000xf32, #tpu.memory_space<hbm>> -> memref<2x40xf32, #tpu.memory_space<hbm>>
          %dma_start3A_419 = arith.constant 0 : i32
          %dma_start3A_420 = arith.constant 0 : i32
          %dma_start3A_421 = tpu.memref_slice %arg12[%dma_start3A_419, %dma_start3A_420] : memref<2x48xf32, #tpu.memory_space<vmem>> -> memref<2x40xf32, #tpu.memory_space<vmem>>
          %dma_start3A_422 = arith.constant 0 : i32
          %dma_start3A_423 = tpu.memref_slice %arg4[%dma_start3A_422, %add3A_409] : memref<2x320000xf32, #tpu.memory_space<hbm>> -> memref<2x40xf32, #tpu.memory_space<hbm>>
          tpu.enqueue_dma source(%dma_start3A_423 : memref<2x40xf32, #tpu.memory_space<hbm>>) target(%dma_start3A_421 : memref<2x40xf32, #tpu.memory_space<vmem>>) target_semaphore(%arg28 : memref<!tpu.dma_semaphore, #tpu.memory_space<semaphore_mem>>)
        } else {
        }
      } else {
      }
      %ge3A = arith.constant 1 : i32
      %ge3A_194 = arith.cmpi sge, %mul3A_105, %ge3A : i32
      %convert_element_type3A_195 = arith.extui %ge3A_194 : i1 to i32
      %cond3A_196 = arith.constant 0 : i32
      %cond3A_197 = arith.cmpi ne, %convert_element_type3A_195, %cond3A_196 : i32
      scf.if %cond3A_197 {
        %dma_wait3A_356 = arith.constant 1 : i32
        %dma_wait3A_357 = arith.constant 0 : i32
        %dma_wait3A_358 = tpu.memref_slice %arg11[%dma_wait3A_356, %dma_wait3A_357] : memref<2x40xi32, #tpu.memory_space<vmem>> -> memref<1x40xi32, #tpu.memory_space<vmem>>
        %dma_wait3A_359 = tpu.memref_squeeze %dma_wait3A_358 : memref<1x40xi32, #tpu.memory_space<vmem>> -> memref<40xi32, #tpu.memory_space<vmem>>
        %dma_wait3A_360 = arith.constant 0 : i32
        %dma_wait3A_361 = arith.constant 0 : i32
        %dma_wait3A_362 = tpu.memref_slice %arg33[%dma_wait3A_360, %dma_wait3A_361] : memref<10000x16xf32, #tpu.memory_space<vmem_shared>> -> memref<10000x16xf32, #tpu.memory_space<vmem_shared>>
        tpu.wait_indirect_dma semaphore(%arg31 : memref<!tpu.dma_semaphore, #tpu.memory_space<semaphore_mem>>) src(%arg19 : memref<40x16xf32, #tpu.memory_space<vmem>>) dst(%dma_wait3A_362 : memref<10000x16xf32, #tpu.memory_space<vmem_shared>>)
        %dma_wait3A_363 = arith.constant 0 : i32
        %dma_wait3A_364 = arith.constant 0 : i32
        %dma_wait3A_365 = tpu.memref_slice %arg11[%dma_wait3A_363, %dma_wait3A_364] : memref<2x40xi32, #tpu.memory_space<vmem>> -> memref<1x40xi32, #tpu.memory_space<vmem>>
        %dma_wait3A_366 = tpu.memref_squeeze %dma_wait3A_365 : memref<1x40xi32, #tpu.memory_space<vmem>> -> memref<40xi32, #tpu.memory_space<vmem>>
        %dma_wait3A_367 = arith.constant 0 : i32
        %dma_wait3A_368 = arith.constant 0 : i32
        %dma_wait3A_369 = tpu.memref_slice %arg33[%dma_wait3A_367, %dma_wait3A_368] : memref<10000x16xf32, #tpu.memory_space<vmem_shared>> -> memref<10000x16xf32, #tpu.memory_space<vmem_shared>>
        tpu.wait_indirect_dma semaphore(%arg31 : memref<!tpu.dma_semaphore, #tpu.memory_space<semaphore_mem>>) src(%arg21 : memref<40x16xf32, #tpu.memory_space<vmem>>) dst(%dma_wait3A_369 : memref<10000x16xf32, #tpu.memory_space<vmem_shared>>)
      } else {
      }
      %dma_start3A_198 = arith.constant 1 : i32
      %dma_start3A_199 = arith.constant 0 : i32
      %dma_start3A_200 = tpu.memref_slice %arg10[%dma_start3A_198, %dma_start3A_199] : memref<2x40xi32, #tpu.memory_space<vmem>> -> memref<1x40xi32, #tpu.memory_space<vmem>>
      %dma_start3A_201 = tpu.memref_squeeze %dma_start3A_200 : memref<1x40xi32, #tpu.memory_space<vmem>> -> memref<40xi32, #tpu.memory_space<vmem>>
      %dma_start3A_202 = arith.constant 0 : i32
      %dma_start3A_203 = arith.constant 0 : i32
      %dma_start3A_204 = tpu.memref_slice %arg32[%dma_start3A_202, %dma_start3A_203] : memref<10000x128xf32, #tpu.memory_space<vmem_shared>> -> memref<10000x128xf32, #tpu.memory_space<vmem_shared>>
      tpu.enqueue_indirect_dma source(%arg14 : memref<40x128xf32, #tpu.memory_space<vmem>>) target(%dma_start3A_204 : memref<10000x128xf32, #tpu.memory_space<vmem_shared>>) offsets(%dma_start3A_201 : memref<40xi32, #tpu.memory_space<vmem>>) semaphore(%arg26 : memref<!tpu.dma_semaphore, #tpu.memory_space<semaphore_mem>>) {add = true}
      %dma_start3A_205 = arith.constant 0 : i32
      %dma_start3A_206 = arith.constant 0 : i32
      %dma_start3A_207 = tpu.memref_slice %arg10[%dma_start3A_205, %dma_start3A_206] : memref<2x40xi32, #tpu.memory_space<vmem>> -> memref<1x40xi32, #tpu.memory_space<vmem>>
      %dma_start3A_208 = tpu.memref_squeeze %dma_start3A_207 : memref<1x40xi32, #tpu.memory_space<vmem>> -> memref<40xi32, #tpu.memory_space<vmem>>
      %dma_start3A_209 = arith.constant 0 : i32
      %dma_start3A_210 = arith.constant 0 : i32
      %dma_start3A_211 = tpu.memref_slice %arg32[%dma_start3A_209, %dma_start3A_210] : memref<10000x128xf32, #tpu.memory_space<vmem_shared>> -> memref<10000x128xf32, #tpu.memory_space<vmem_shared>>
      tpu.enqueue_indirect_dma source(%arg16 : memref<40x128xf32, #tpu.memory_space<vmem>>) target(%dma_start3A_211 : memref<10000x128xf32, #tpu.memory_space<vmem_shared>>) offsets(%dma_start3A_208 : memref<40xi32, #tpu.memory_space<vmem>>) semaphore(%arg26 : memref<!tpu.dma_semaphore, #tpu.memory_space<semaphore_mem>>) {add = true}
      %dma_start3A_212 = arith.constant 1 : i32
      %dma_start3A_213 = arith.constant 0 : i32
      %dma_start3A_214 = tpu.memref_slice %arg10[%dma_start3A_212, %dma_start3A_213] : memref<2x40xi32, #tpu.memory_space<vmem>> -> memref<1x40xi32, #tpu.memory_space<vmem>>
      %dma_start3A_215 = tpu.memref_squeeze %dma_start3A_214 : memref<1x40xi32, #tpu.memory_space<vmem>> -> memref<40xi32, #tpu.memory_space<vmem>>
      %dma_start3A_216 = arith.constant 0 : i32
      %dma_start3A_217 = arith.constant 0 : i32
      %dma_start3A_218 = tpu.memref_slice %arg33[%dma_start3A_216, %dma_start3A_217] : memref<10000x16xf32, #tpu.memory_space<vmem_shared>> -> memref<10000x16xf32, #tpu.memory_space<vmem_shared>>
      tpu.enqueue_indirect_dma source(%arg18 : memref<40x16xf32, #tpu.memory_space<vmem>>) target(%dma_start3A_218 : memref<10000x16xf32, #tpu.memory_space<vmem_shared>>) offsets(%dma_start3A_215 : memref<40xi32, #tpu.memory_space<vmem>>) semaphore(%arg30 : memref<!tpu.dma_semaphore, #tpu.memory_space<semaphore_mem>>) {add = true}
      %dma_start3A_219 = arith.constant 0 : i32
      %dma_start3A_220 = arith.constant 0 : i32
      %dma_start3A_221 = tpu.memref_slice %arg10[%dma_start3A_219, %dma_start3A_220] : memref<2x40xi32, #tpu.memory_space<vmem>> -> memref<1x40xi32, #tpu.memory_space<vmem>>
      %dma_start3A_222 = tpu.memref_squeeze %dma_start3A_221 : memref<1x40xi32, #tpu.memory_space<vmem>> -> memref<40xi32, #tpu.memory_space<vmem>>
      %dma_start3A_223 = arith.constant 0 : i32
      %dma_start3A_224 = arith.constant 0 : i32
      %dma_start3A_225 = tpu.memref_slice %arg33[%dma_start3A_223, %dma_start3A_224] : memref<10000x16xf32, #tpu.memory_space<vmem_shared>> -> memref<10000x16xf32, #tpu.memory_space<vmem_shared>>
      tpu.enqueue_indirect_dma source(%arg20 : memref<40x16xf32, #tpu.memory_space<vmem>>) target(%dma_start3A_225 : memref<10000x16xf32, #tpu.memory_space<vmem_shared>>) offsets(%dma_start3A_222 : memref<40xi32, #tpu.memory_space<vmem>>) semaphore(%arg30 : memref<!tpu.dma_semaphore, #tpu.memory_space<semaphore_mem>>) {add = true}
      %mul3A_226 = arith.constant 2 : i32
      %mul3A_227 = arith.muli %mul3A_226, %scan3A_103 : i32
      %add3A_228 = arith.constant 1 : i32
      %add3A_229 = arith.addi %mul3A_227, %add3A_228 : i32
      %dma_wait3A_230 = arith.constant 0 : i32
      %dma_wait3A_231 = arith.constant 0 : i32
      %dma_wait3A_232 = tpu.memref_slice %arg9[%dma_wait3A_230, %dma_wait3A_231] : memref<2x40xi32, #tpu.memory_space<vmem>> -> memref<1x40xi32, #tpu.memory_space<vmem>>
      %dma_wait3A_233 = tpu.memref_squeeze %dma_wait3A_232 : memref<1x40xi32, #tpu.memory_space<vmem>> -> memref<40xi32, #tpu.memory_space<vmem>>
      %dma_wait3A_234 = arith.constant 0 : i32
      %dma_wait3A_235 = arith.constant 0 : i32
      %dma_wait3A_236 = tpu.memref_slice %arg2[%dma_wait3A_234, %dma_wait3A_235] : memref<10000x128xf32, #tpu.memory_space<hbm>> -> memref<10000x128xf32, #tpu.memory_space<hbm>>
      tpu.wait_indirect_dma semaphore(%arg25 : memref<!tpu.dma_semaphore, #tpu.memory_space<semaphore_mem>>) src(%dma_wait3A_236 : memref<10000x128xf32, #tpu.memory_space<hbm>>) dst(%arg15 : memref<40x128xf32, #tpu.memory_space<vmem>>)
      %dma_wait3A_237 = arith.constant 1 : i32
      %dma_wait3A_238 = arith.constant 0 : i32
      %dma_wait3A_239 = tpu.memref_slice %arg9[%dma_wait3A_237, %dma_wait3A_238] : memref<2x40xi32, #tpu.memory_space<vmem>> -> memref<1x40xi32, #tpu.memory_space<vmem>>
      %dma_wait3A_240 = tpu.memref_squeeze %dma_wait3A_239 : memref<1x40xi32, #tpu.memory_space<vmem>> -> memref<40xi32, #tpu.memory_space<vmem>>
      %dma_wait3A_241 = arith.constant 0 : i32
      %dma_wait3A_242 = arith.constant 0 : i32
      %dma_wait3A_243 = tpu.memref_slice %arg2[%dma_wait3A_241, %dma_wait3A_242] : memref<10000x128xf32, #tpu.memory_space<hbm>> -> memref<10000x128xf32, #tpu.memory_space<hbm>>
      tpu.wait_indirect_dma semaphore(%arg25 : memref<!tpu.dma_semaphore, #tpu.memory_space<semaphore_mem>>) src(%dma_wait3A_243 : memref<10000x128xf32, #tpu.memory_space<hbm>>) dst(%arg17 : memref<40x128xf32, #tpu.memory_space<vmem>>)
      %get3A_244 = arith.constant 0 : i32
      %get3A_245 = arith.index_cast %get3A_244 : i32 to index
      %get3A_246 = arith.constant 0 : index
      %get3A_247 = tpu.vector_load %arg9[%get3A_245, %get3A_246] {strides = array<i32>} : memref<2x40xi32, #tpu.memory_space<vmem>>, vector<16xi32>,
      %swap3A_248 = arith.constant 0 : i32
      %swap3A_249 = arith.index_cast %swap3A_248 : i32 to index
      %swap3A_250 = arith.constant 0 : index
      %swap3A_251 = tpu.vector_load %arg11[%swap3A_249, %swap3A_250] {strides = array<i32>} : memref<2x40xi32, #tpu.memory_space<vmem>>, vector<16xi32>,
      tpu.vector_store %arg11[%swap3A_249, %swap3A_250], %get3A_247 {strides = array<i32>} : memref<2x40xi32, #tpu.memory_space<vmem>>, vector<16xi32>,
      %get3A_252 = arith.constant 0 : i32
      %get3A_253 = arith.index_cast %get3A_252 : i32 to index
      %get3A_254 = arith.constant 16 : index
      %get3A_255 = tpu.vector_load %arg9[%get3A_253, %get3A_254] {strides = array<i32>} : memref<2x40xi32, #tpu.memory_space<vmem>>, vector<16xi32>,
      %swap3A_256 = arith.constant 0 : i32
      %swap3A_257 = arith.index_cast %swap3A_256 : i32 to index
      %swap3A_258 = arith.constant 16 : index
      %swap3A_259 = tpu.vector_load %arg11[%swap3A_257, %swap3A_258] {strides = array<i32>} : memref<2x40xi32, #tpu.memory_space<vmem>>, vector<16xi32>,
      tpu.vector_store %arg11[%swap3A_257, %swap3A_258], %get3A_255 {strides = array<i32>} : memref<2x40xi32, #tpu.memory_space<vmem>>, vector<16xi32>,
      %get3A_260 = arith.constant 0 : i32
      %get3A_261 = arith.index_cast %get3A_260 : i32 to index
      %get3A_262 = arith.constant 24 : index
      %get3A_263 = tpu.vector_load %arg9[%get3A_261, %get3A_262] {strides = array<i32>} : memref<2x40xi32, #tpu.memory_space<vmem>>, vector<16xi32>,
      %swap3A_264 = arith.constant 0 : i32
      %swap3A_265 = arith.index_cast %swap3A_264 : i32 to index
      %swap3A_266 = arith.constant 24 : index
      %swap3A_267 = tpu.vector_load %arg11[%swap3A_265, %swap3A_266] {strides = array<i32>} : memref<2x40xi32, #tpu.memory_space<vmem>>, vector<16xi32>,
      tpu.vector_store %arg11[%swap3A_265, %swap3A_266], %get3A_263 {strides = array<i32>} : memref<2x40xi32, #tpu.memory_space<vmem>>, vector<16xi32>,
      %get3A_268 = arith.constant 1 : i32
      %get3A_269 = arith.index_cast %get3A_268 : i32 to index
      %get3A_270 = arith.constant 0 : index
      %get3A_271 = tpu.vector_load %arg9[%get3A_269, %get3A_270] {strides = array<i32>} : memref<2x40xi32, #tpu.memory_space<vmem>>, vector<16xi32>,
      %swap3A_272 = arith.constant 1 : i32
      %swap3A_273 = arith.index_cast %swap3A_272 : i32 to index
      %swap3A_274 = arith.constant 0 : index
      %swap3A_275 = tpu.vector_load %arg11[%swap3A_273, %swap3A_274] {strides = array<i32>} : memref<2x40xi32, #tpu.memory_space<vmem>>, vector<16xi32>,
      tpu.vector_store %arg11[%swap3A_273, %swap3A_274], %get3A_271 {strides = array<i32>} : memref<2x40xi32, #tpu.memory_space<vmem>>, vector<16xi32>,
      %get3A_276 = arith.constant 1 : i32
      %get3A_277 = arith.index_cast %get3A_276 : i32 to index
      %get3A_278 = arith.constant 16 : index
      %get3A_279 = tpu.vector_load %arg9[%get3A_277, %get3A_278] {strides = array<i32>} : memref<2x40xi32, #tpu.memory_space<vmem>>, vector<16xi32>,
      %swap3A_280 = arith.constant 1 : i32
      %swap3A_281 = arith.index_cast %swap3A_280 : i32 to index
      %swap3A_282 = arith.constant 16 : index
      %swap3A_283 = tpu.vector_load %arg11[%swap3A_281, %swap3A_282] {strides = array<i32>} : memref<2x40xi32, #tpu.memory_space<vmem>>, vector<16xi32>,
      tpu.vector_store %arg11[%swap3A_281, %swap3A_282], %get3A_279 {strides = array<i32>} : memref<2x40xi32, #tpu.memory_space<vmem>>, vector<16xi32>,
      %get3A_284 = arith.constant 1 : i32
      %get3A_285 = arith.index_cast %get3A_284 : i32 to index
      %get3A_286 = arith.constant 24 : index
      %get3A_287 = tpu.vector_load %arg9[%get3A_285, %get3A_286] {strides = array<i32>} : memref<2x40xi32, #tpu.memory_space<vmem>>, vector<16xi32>,
      %swap3A_288 = arith.constant 1 : i32
      %swap3A_289 = arith.index_cast %swap3A_288 : i32 to index
      %swap3A_290 = arith.constant 24 : index
      %swap3A_291 = tpu.vector_load %arg11[%swap3A_289, %swap3A_290] {strides = array<i32>} : memref<2x40xi32, #tpu.memory_space<vmem>>, vector<16xi32>,
      tpu.vector_store %arg11[%swap3A_289, %swap3A_290], %get3A_287 {strides = array<i32>} : memref<2x40xi32, #tpu.memory_space<vmem>>, vector<16xi32>,
      %get3A_292 = arith.constant 0 : i32
      %get3A_293 = arith.index_cast %get3A_292 : i32 to index
      %get3A_294 = arith.constant 0 : index
      %get3A_295 = tpu.vector_load %arg13[%get3A_293, %get3A_294] {strides = array<i32>} : memref<2x48xf32, #tpu.memory_space<vmem>>, vector<16xf32>,
      %get3A_296 = arith.constant 1 : i32
      %get3A_297 = arith.index_cast %get3A_296 : i32 to index
      %get3A_298 = arith.constant 0 : index
      %get3A_299 = tpu.vector_load %arg13[%get3A_297, %get3A_298] {strides = array<i32>} : memref<2x48xf32, #tpu.memory_space<vmem>>, vector<16xf32>,
      %get3A_300 = arith.constant 0 : i32
      %get3A_301 = arith.index_cast %get3A_300 : i32 to index
      %get3A_302 = arith.constant 16 : index
      %get3A_303 = tpu.vector_load %arg13[%get3A_301, %get3A_302] {strides = array<i32>} : memref<2x48xf32, #tpu.memory_space<vmem>>, vector<16xf32>,
      %get3A_304 = arith.constant 1 : i32
      %get3A_305 = arith.index_cast %get3A_304 : i32 to index
      %get3A_306 = arith.constant 16 : index
      %get3A_307 = tpu.vector_load %arg13[%get3A_305, %get3A_306] {strides = array<i32>} : memref<2x48xf32, #tpu.memory_space<vmem>>, vector<16xf32>,
      %get3A_308 = arith.constant 0 : i32
      %get3A_309 = arith.index_cast %get3A_308 : i32 to index
      %get3A_310 = arith.constant 32 : index
      %get3A_311 = tpu.vector_load %arg13[%get3A_309, %get3A_310] {strides = array<i32>} : memref<2x48xf32, #tpu.memory_space<vmem>>, vector<16xf32>,
      %get3A_312 = arith.constant 1 : i32
      %get3A_313 = arith.index_cast %get3A_312 : i32 to index
      %get3A_314 = arith.constant 32 : index
      %get3A_315 = tpu.vector_load %arg13[%get3A_313, %get3A_314] {strides = array<i32>} : memref<2x48xf32, #tpu.memory_space<vmem>>, vector<16xf32>,
      %add3A_316 = arith.constant 1 : i32
      %add3A_317 = arith.addi %add3A_229, %add3A_316 : i32
      %lt3A_318 = arith.constant 250 : i32
      %lt3A_319 = arith.cmpi slt, %add3A_317, %lt3A_318 : i32
      %convert_element_type3A_320 = arith.extui %lt3A_319 : i1 to i32
      %cond3A_321 = arith.constant 0 : i32
      %cond3A_322 = arith.cmpi ne, %convert_element_type3A_320, %cond3A_321 : i32
      scf.if %cond3A_322 {
        %ge3A_356 = arith.constant 1 : i32
        %ge3A_357 = arith.cmpi sge, %add3A_229, %ge3A_356 : i32
        %convert_element_type3A_358 = arith.extui %ge3A_357 : i1 to i32
        %cond3A_359 = arith.constant 0 : i32
        %cond3A_360 = arith.cmpi ne, %convert_element_type3A_358, %cond3A_359 : i32
        scf.if %cond3A_360 {
          %dma_wait3A_403 = arith.constant 1 : i32
          %dma_wait3A_404 = arith.constant 0 : i32
          %dma_wait3A_405 = tpu.memref_slice %arg10[%dma_wait3A_403, %dma_wait3A_404] : memref<2x40xi32, #tpu.memory_space<vmem>> -> memref<1x40xi32, #tpu.memory_space<vmem>>
          %dma_wait3A_406 = tpu.memref_squeeze %dma_wait3A_405 : memref<1x40xi32, #tpu.memory_space<vmem>> -> memref<40xi32, #tpu.memory_space<vmem>>
          %dma_wait3A_407 = arith.constant 0 : i32
          %dma_wait3A_408 = arith.constant 0 : i32
          %dma_wait3A_409 = tpu.memref_slice %arg32[%dma_wait3A_407, %dma_wait3A_408] : memref<10000x128xf32, #tpu.memory_space<vmem_shared>> -> memref<10000x128xf32, #tpu.memory_space<vmem_shared>>
          tpu.wait_indirect_dma semaphore(%arg26 : memref<!tpu.dma_semaphore, #tpu.memory_space<semaphore_mem>>) src(%arg14 : memref<40x128xf32, #tpu.memory_space<vmem>>) dst(%dma_wait3A_409 : memref<10000x128xf32, #tpu.memory_space<vmem_shared>>)
          %dma_wait3A_410 = arith.constant 0 : i32
          %dma_wait3A_411 = arith.constant 0 : i32
          %dma_wait3A_412 = tpu.memref_slice %arg10[%dma_wait3A_410, %dma_wait3A_411] : memref<2x40xi32, #tpu.memory_space<vmem>> -> memref<1x40xi32, #tpu.memory_space<vmem>>
          %dma_wait3A_413 = tpu.memref_squeeze %dma_wait3A_412 : memref<1x40xi32, #tpu.memory_space<vmem>> -> memref<40xi32, #tpu.memory_space<vmem>>
          %dma_wait3A_414 = arith.constant 0 : i32
          %dma_wait3A_415 = arith.constant 0 : i32
          %dma_wait3A_416 = tpu.memref_slice %arg32[%dma_wait3A_414, %dma_wait3A_415] : memref<10000x128xf32, #tpu.memory_space<vmem_shared>> -> memref<10000x128xf32, #tpu.memory_space<vmem_shared>>
          tpu.wait_indirect_dma semaphore(%arg26 : memref<!tpu.dma_semaphore, #tpu.memory_space<semaphore_mem>>) src(%arg16 : memref<40x128xf32, #tpu.memory_space<vmem>>) dst(%dma_wait3A_416 : memref<10000x128xf32, #tpu.memory_space<vmem_shared>>)
        } else {
        }
        %add3A_361 = arith.constant 1 : i32
        %add3A_362 = arith.addi %add3A_229, %add3A_361 : i32
        %mul3A_363 = arith.constant 10000 : i32
        %mul3A_364 = arith.muli %add3A, %mul3A_363 : i32
        %mul3A_365 = arith.constant 40 : i32
        %mul3A_366 = arith.muli %add3A_362, %mul3A_365 : i32
        %add3A_367 = arith.addi %mul3A_364, %mul3A_366 : i32
        %dma_wait3A_368 = arith.constant 0 : i32
        %dma_wait3A_369 = tpu.memref_slice %arg3[%dma_wait3A_368, %add3A_367] : memref<2x320000xi32, #tpu.memory_space<hbm>> -> memref<2x40xi32, #tpu.memory_space<hbm>>
        %dma_wait3A_370 = arith.constant 0 : i32
        %dma_wait3A_371 = tpu.memref_slice %arg3[%dma_wait3A_370, %add3A_367] : memref<2x320000xi32, #tpu.memory_space<hbm>> -> memref<2x40xi32, #tpu.memory_space<hbm>>
        tpu.wait_dma2 semaphore(%arg28 : memref<!tpu.dma_semaphore, #tpu.memory_space<semaphore_mem>>) src(%dma_wait3A_371 : memref<2x40xi32, #tpu.memory_space<hbm>>) dst(%arg8 : memref<2x40xi32, #tpu.memory_space<vmem>>)
        %dma_wait3A_372 = arith.constant 0 : i32
        %dma_wait3A_373 = arith.constant 0 : i32
        %dma_wait3A_374 = tpu.memref_slice %arg12[%dma_wait3A_372, %dma_wait3A_373] : memref<2x48xf32, #tpu.memory_space<vmem>> -> memref<2x40xf32, #tpu.memory_space<vmem>>
        %dma_wait3A_375 = arith.constant 0 : i32
        %dma_wait3A_376 = tpu.memref_slice %arg4[%dma_wait3A_375, %add3A_367] : memref<2x320000xf32, #tpu.memory_space<hbm>> -> memref<2x40xf32, #tpu.memory_space<hbm>>
        %dma_wait3A_377 = arith.constant 0 : i32
        %dma_wait3A_378 = arith.constant 0 : i32
        %dma_wait3A_379 = tpu.memref_slice %arg12[%dma_wait3A_377, %dma_wait3A_378] : memref<2x48xf32, #tpu.memory_space<vmem>> -> memref<2x40xf32, #tpu.memory_space<vmem>>
        %dma_wait3A_380 = arith.constant 0 : i32
        %dma_wait3A_381 = tpu.memref_slice %arg4[%dma_wait3A_380, %add3A_367] : memref<2x320000xf32, #tpu.memory_space<hbm>> -> memref<2x40xf32, #tpu.memory_space<hbm>>
        tpu.wait_dma2 semaphore(%arg28 : memref<!tpu.dma_semaphore, #tpu.memory_space<semaphore_mem>>) src(%dma_wait3A_381 : memref<2x40xf32, #tpu.memory_space<hbm>>) dst(%dma_wait3A_379 : memref<2x40xf32, #tpu.memory_space<vmem>>)
        %dma_start3A_382 = arith.constant 0 : i32
        %dma_start3A_383 = arith.constant 0 : i32
        %dma_start3A_384 = tpu.memref_slice %arg8[%dma_start3A_382, %dma_start3A_383] : memref<2x40xi32, #tpu.memory_space<vmem>> -> memref<1x40xi32, #tpu.memory_space<vmem>>
        %dma_start3A_385 = tpu.memref_squeeze %dma_start3A_384 : memref<1x40xi32, #tpu.memory_space<vmem>> -> memref<40xi32, #tpu.memory_space<vmem>>
        %dma_start3A_386 = arith.constant 0 : i32
        %dma_start3A_387 = arith.constant 0 : i32
        %dma_start3A_388 = tpu.memref_slice %arg2[%dma_start3A_386, %dma_start3A_387] : memref<10000x128xf32, #tpu.memory_space<hbm>> -> memref<10000x128xf32, #tpu.memory_space<hbm>>
        tpu.enqueue_indirect_dma source(%dma_start3A_388 : memref<10000x128xf32, #tpu.memory_space<hbm>>) target(%arg14 : memref<40x128xf32, #tpu.memory_space<vmem>>) offsets(%dma_start3A_385 : memref<40xi32, #tpu.memory_space<vmem>>) semaphore(%arg24 : memref<!tpu.dma_semaphore, #tpu.memory_space<semaphore_mem>>)
        %dma_start3A_389 = arith.constant 1 : i32
        %dma_start3A_390 = arith.constant 0 : i32
        %dma_start3A_391 = tpu.memref_slice %arg8[%dma_start3A_389, %dma_start3A_390] : memref<2x40xi32, #tpu.memory_space<vmem>> -> memref<1x40xi32, #tpu.memory_space<vmem>>
        %dma_start3A_392 = tpu.memref_squeeze %dma_start3A_391 : memref<1x40xi32, #tpu.memory_space<vmem>> -> memref<40xi32, #tpu.memory_space<vmem>>
        %dma_start3A_393 = arith.constant 0 : i32
        %dma_start3A_394 = arith.constant 0 : i32
        %dma_start3A_395 = tpu.memref_slice %arg2[%dma_start3A_393, %dma_start3A_394] : memref<10000x128xf32, #tpu.memory_space<hbm>> -> memref<10000x128xf32, #tpu.memory_space<hbm>>
        tpu.enqueue_indirect_dma source(%dma_start3A_395 : memref<10000x128xf32, #tpu.memory_space<hbm>>) target(%arg16 : memref<40x128xf32, #tpu.memory_space<vmem>>) offsets(%dma_start3A_392 : memref<40xi32, #tpu.memory_space<vmem>>) semaphore(%arg24 : memref<!tpu.dma_semaphore, #tpu.memory_space<semaphore_mem>>)
        %add3A_396 = arith.constant 2 : i32
        %add3A_397 = arith.addi %add3A_229, %add3A_396 : i32
        %lt3A_398 = arith.constant 250 : i32
        %lt3A_399 = arith.cmpi slt, %add3A_397, %lt3A_398 : i32
        %convert_element_type3A_400 = arith.extui %lt3A_399 : i1 to i32
        %cond3A_401 = arith.constant 0 : i32
        %cond3A_402 = arith.cmpi ne, %convert_element_type3A_400, %cond3A_401 : i32
        scf.if %cond3A_402 {
          %add3A_403 = arith.constant 2 : i32
          %add3A_404 = arith.addi %add3A_229, %add3A_403 : i32
          %mul3A_405 = arith.constant 10000 : i32
          %mul3A_406 = arith.muli %add3A, %mul3A_405 : i32
          %mul3A_407 = arith.constant 40 : i32
          %mul3A_408 = arith.muli %add3A_404, %mul3A_407 : i32
          %add3A_409 = arith.addi %mul3A_406, %mul3A_408 : i32
          %dma_start3A_410 = arith.constant 0 : i32
          %dma_start3A_411 = tpu.memref_slice %arg3[%dma_start3A_410, %add3A_409] : memref<2x320000xi32, #tpu.memory_space<hbm>> -> memref<2x40xi32, #tpu.memory_space<hbm>>
          %dma_start3A_412 = arith.constant 0 : i32
          %dma_start3A_413 = tpu.memref_slice %arg3[%dma_start3A_412, %add3A_409] : memref<2x320000xi32, #tpu.memory_space<hbm>> -> memref<2x40xi32, #tpu.memory_space<hbm>>
          tpu.enqueue_dma source(%dma_start3A_413 : memref<2x40xi32, #tpu.memory_space<hbm>>) target(%arg9 : memref<2x40xi32, #tpu.memory_space<vmem>>) target_semaphore(%arg29 : memref<!tpu.dma_semaphore, #tpu.memory_space<semaphore_mem>>)
          %dma_start3A_414 = arith.constant 0 : i32
          %dma_start3A_415 = arith.constant 0 : i32
          %dma_start3A_416 = tpu.memref_slice %arg13[%dma_start3A_414, %dma_start3A_415] : memref<2x48xf32, #tpu.memory_space<vmem>> -> memref<2x40xf32, #tpu.memory_space<vmem>>
          %dma_start3A_417 = arith.constant 0 : i32
          %dma_start3A_418 = tpu.memref_slice %arg4[%dma_start3A_417, %add3A_409] : memref<2x320000xf32, #tpu.memory_space<hbm>> -> memref<2x40xf32, #tpu.memory_space<hbm>>
          %dma_start3A_419 = arith.constant 0 : i32
          %dma_start3A_420 = arith.constant 0 : i32
          %dma_start3A_421 = tpu.memref_slice %arg13[%dma_start3A_419, %dma_start3A_420] : memref<2x48xf32, #tpu.memory_space<vmem>> -> memref<2x40xf32, #tpu.memory_space<vmem>>
          %dma_start3A_422 = arith.constant 0 : i32
          %dma_start3A_423 = tpu.memref_slice %arg4[%dma_start3A_422, %add3A_409] : memref<2x320000xf32, #tpu.memory_space<hbm>> -> memref<2x40xf32, #tpu.memory_space<hbm>>
          tpu.enqueue_dma source(%dma_start3A_423 : memref<2x40xf32, #tpu.memory_space<hbm>>) target(%dma_start3A_421 : memref<2x40xf32, #tpu.memory_space<vmem>>) target_semaphore(%arg29 : memref<!tpu.dma_semaphore, #tpu.memory_space<semaphore_mem>>)
        } else {
        }
      } else {
      }
      %ge3A_323 = arith.constant 1 : i32
      %ge3A_324 = arith.cmpi sge, %add3A_229, %ge3A_323 : i32
      %convert_element_type3A_325 = arith.extui %ge3A_324 : i1 to i32
      %cond3A_326 = arith.constant 0 : i32
      %cond3A_327 = arith.cmpi ne, %convert_element_type3A_325, %cond3A_326 : i32
      scf.if %cond3A_327 {
        %dma_wait3A_356 = arith.constant 1 : i32
        %dma_wait3A_357 = arith.constant 0 : i32
        %dma_wait3A_358 = tpu.memref_slice %arg10[%dma_wait3A_356, %dma_wait3A_357] : memref<2x40xi32, #tpu.memory_space<vmem>> -> memref<1x40xi32, #tpu.memory_space<vmem>>
        %dma_wait3A_359 = tpu.memref_squeeze %dma_wait3A_358 : memref<1x40xi32, #tpu.memory_space<vmem>> -> memref<40xi32, #tpu.memory_space<vmem>>
        %dma_wait3A_360 = arith.constant 0 : i32
        %dma_wait3A_361 = arith.constant 0 : i32
        %dma_wait3A_362 = tpu.memref_slice %arg33[%dma_wait3A_360, %dma_wait3A_361] : memref<10000x16xf32, #tpu.memory_space<vmem_shared>> -> memref<10000x16xf32, #tpu.memory_space<vmem_shared>>
        tpu.wait_indirect_dma semaphore(%arg30 : memref<!tpu.dma_semaphore, #tpu.memory_space<semaphore_mem>>) src(%arg18 : memref<40x16xf32, #tpu.memory_space<vmem>>) dst(%dma_wait3A_362 : memref<10000x16xf32, #tpu.memory_space<vmem_shared>>)
        %dma_wait3A_363 = arith.constant 0 : i32
        %dma_wait3A_364 = arith.constant 0 : i32
        %dma_wait3A_365 = tpu.memref_slice %arg10[%dma_wait3A_363, %dma_wait3A_364] : memref<2x40xi32, #tpu.memory_space<vmem>> -> memref<1x40xi32, #tpu.memory_space<vmem>>
        %dma_wait3A_366 = tpu.memref_squeeze %dma_wait3A_365 : memref<1x40xi32, #tpu.memory_space<vmem>> -> memref<40xi32, #tpu.memory_space<vmem>>
        %dma_wait3A_367 = arith.constant 0 : i32
        %dma_wait3A_368 = arith.constant 0 : i32
        %dma_wait3A_369 = tpu.memref_slice %arg33[%dma_wait3A_367, %dma_wait3A_368] : memref<10000x16xf32, #tpu.memory_space<vmem_shared>> -> memref<10000x16xf32, #tpu.memory_space<vmem_shared>>
        tpu.wait_indirect_dma semaphore(%arg30 : memref<!tpu.dma_semaphore, #tpu.memory_space<semaphore_mem>>) src(%arg20 : memref<40x16xf32, #tpu.memory_space<vmem>>) dst(%dma_wait3A_369 : memref<10000x16xf32, #tpu.memory_space<vmem_shared>>)
      } else {
      }
      %dma_start3A_328 = arith.constant 1 : i32
      %dma_start3A_329 = arith.constant 0 : i32
      %dma_start3A_330 = tpu.memref_slice %arg11[%dma_start3A_328, %dma_start3A_329] : memref<2x40xi32, #tpu.memory_space<vmem>> -> memref<1x40xi32, #tpu.memory_space<vmem>>
      %dma_start3A_331 = tpu.memref_squeeze %dma_start3A_330 : memref<1x40xi32, #tpu.memory_space<vmem>> -> memref<40xi32, #tpu.memory_space<vmem>>
      %dma_start3A_332 = arith.constant 0 : i32
      %dma_start3A_333 = arith.constant 0 : i32
      %dma_start3A_334 = tpu.memref_slice %arg32[%dma_start3A_332, %dma_start3A_333] : memref<10000x128xf32, #tpu.memory_space<vmem_shared>> -> memref<10000x128xf32, #tpu.memory_space<vmem_shared>>
      tpu.enqueue_indirect_dma source(%arg15 : memref<40x128xf32, #tpu.memory_space<vmem>>) target(%dma_start3A_334 : memref<10000x128xf32, #tpu.memory_space<vmem_shared>>) offsets(%dma_start3A_331 : memref<40xi32, #tpu.memory_space<vmem>>) semaphore(%arg27 : memref<!tpu.dma_semaphore, #tpu.memory_space<semaphore_mem>>) {add = true}
      %dma_start3A_335 = arith.constant 0 : i32
      %dma_start3A_336 = arith.constant 0 : i32
      %dma_start3A_337 = tpu.memref_slice %arg11[%dma_start3A_335, %dma_start3A_336] : memref<2x40xi32, #tpu.memory_space<vmem>> -> memref<1x40xi32, #tpu.memory_space<vmem>>
      %dma_start3A_338 = tpu.memref_squeeze %dma_start3A_337 : memref<1x40xi32, #tpu.memory_space<vmem>> -> memref<40xi32, #tpu.memory_space<vmem>>
      %dma_start3A_339 = arith.constant 0 : i32
      %dma_start3A_340 = arith.constant 0 : i32
      %dma_start3A_341 = tpu.memref_slice %arg32[%dma_start3A_339, %dma_start3A_340] : memref<10000x128xf32, #tpu.memory_space<vmem_shared>> -> memref<10000x128xf32, #tpu.memory_space<vmem_shared>>
      tpu.enqueue_indirect_dma source(%arg17 : memref<40x128xf32, #tpu.memory_space<vmem>>) target(%dma_start3A_341 : memref<10000x128xf32, #tpu.memory_space<vmem_shared>>) offsets(%dma_start3A_338 : memref<40xi32, #tpu.memory_space<vmem>>) semaphore(%arg27 : memref<!tpu.dma_semaphore, #tpu.memory_space<semaphore_mem>>) {add = true}
      %dma_start3A_342 = arith.constant 1 : i32
      %dma_start3A_343 = arith.constant 0 : i32
      %dma_start3A_344 = tpu.memref_slice %arg11[%dma_start3A_342, %dma_start3A_343] : memref<2x40xi32, #tpu.memory_space<vmem>> -> memref<1x40xi32, #tpu.memory_space<vmem>>
      %dma_start3A_345 = tpu.memref_squeeze %dma_start3A_344 : memref<1x40xi32, #tpu.memory_space<vmem>> -> memref<40xi32, #tpu.memory_space<vmem>>
      %dma_start3A_346 = arith.constant 0 : i32
      %dma_start3A_347 = arith.constant 0 : i32
      %dma_start3A_348 = tpu.memref_slice %arg33[%dma_start3A_346, %dma_start3A_347] : memref<10000x16xf32, #tpu.memory_space<vmem_shared>> -> memref<10000x16xf32, #tpu.memory_space<vmem_shared>>
      tpu.enqueue_indirect_dma source(%arg19 : memref<40x16xf32, #tpu.memory_space<vmem>>) target(%dma_start3A_348 : memref<10000x16xf32, #tpu.memory_space<vmem_shared>>) offsets(%dma_start3A_345 : memref<40xi32, #tpu.memory_space<vmem>>) semaphore(%arg31 : memref<!tpu.dma_semaphore, #tpu.memory_space<semaphore_mem>>) {add = true}
      %dma_start3A_349 = arith.constant 0 : i32
      %dma_start3A_350 = arith.constant 0 : i32
      %dma_start3A_351 = tpu.memref_slice %arg11[%dma_start3A_349, %dma_start3A_350] : memref<2x40xi32, #tpu.memory_space<vmem>> -> memref<1x40xi32, #tpu.memory_space<vmem>>
      %dma_start3A_352 = tpu.memref_squeeze %dma_start3A_351 : memref<1x40xi32, #tpu.memory_space<vmem>> -> memref<40xi32, #tpu.memory_space<vmem>>
      %dma_start3A_353 = arith.constant 0 : i32
      %dma_start3A_354 = arith.constant 0 : i32
      %dma_start3A_355 = tpu.memref_slice %arg33[%dma_start3A_353, %dma_start3A_354] : memref<10000x16xf32, #tpu.memory_space<vmem_shared>> -> memref<10000x16xf32, #tpu.memory_space<vmem_shared>>
      tpu.enqueue_indirect_dma source(%arg21 : memref<40x16xf32, #tpu.memory_space<vmem>>) target(%dma_start3A_355 : memref<10000x16xf32, #tpu.memory_space<vmem_shared>>) offsets(%dma_start3A_352 : memref<40xi32, #tpu.memory_space<vmem>>) semaphore(%arg31 : memref<!tpu.dma_semaphore, #tpu.memory_space<semaphore_mem>>) {add = true}
    }
    %scan3A_54 = arith.constant 125 : i32
    %dma_wait3A = arith.constant 1 : i32
    %dma_wait3A_55 = arith.constant 0 : i32
    %dma_wait3A_56 = tpu.memref_slice %arg10[%dma_wait3A, %dma_wait3A_55] : memref<2x40xi32, #tpu.memory_space<vmem>> -> memref<1x40xi32, #tpu.memory_space<vmem>>
    %dma_wait3A_57 = tpu.memref_squeeze %dma_wait3A_56 : memref<1x40xi32, #tpu.memory_space<vmem>> -> memref<40xi32, #tpu.memory_space<vmem>>
    %dma_wait3A_58 = arith.constant 0 : i32
    %dma_wait3A_59 = arith.constant 0 : i32
    %dma_wait3A_60 = tpu.memref_slice %arg32[%dma_wait3A_58, %dma_wait3A_59] : memref<10000x128xf32, #tpu.memory_space<vmem_shared>> -> memref<10000x128xf32, #tpu.memory_space<vmem_shared>>
    tpu.wait_indirect_dma semaphore(%arg26 : memref<!tpu.dma_semaphore, #tpu.memory_space<semaphore_mem>>) src(%arg14 : memref<40x128xf32, #tpu.memory_space<vmem>>) dst(%dma_wait3A_60 : memref<10000x128xf32, #tpu.memory_space<vmem_shared>>)
    %dma_wait3A_61 = arith.constant 0 : i32
    %dma_wait3A_62 = arith.constant 0 : i32
    %dma_wait3A_63 = tpu.memref_slice %arg10[%dma_wait3A_61, %dma_wait3A_62] : memref<2x40xi32, #tpu.memory_space<vmem>> -> memref<1x40xi32, #tpu.memory_space<vmem>>
    %dma_wait3A_64 = tpu.memref_squeeze %dma_wait3A_63 : memref<1x40xi32, #tpu.memory_space<vmem>> -> memref<40xi32, #tpu.memory_space<vmem>>
    %dma_wait3A_65 = arith.constant 0 : i32
    %dma_wait3A_66 = arith.constant 0 : i32
    %dma_wait3A_67 = tpu.memref_slice %arg32[%dma_wait3A_65, %dma_wait3A_66] : memref<10000x128xf32, #tpu.memory_space<vmem_shared>> -> memref<10000x128xf32, #tpu.memory_space<vmem_shared>>
    tpu.wait_indirect_dma semaphore(%arg26 : memref<!tpu.dma_semaphore, #tpu.memory_space<semaphore_mem>>) src(%arg16 : memref<40x128xf32, #tpu.memory_space<vmem>>) dst(%dma_wait3A_67 : memref<10000x128xf32, #tpu.memory_space<vmem_shared>>)
    %dma_wait3A_68 = arith.constant 1 : i32
    %dma_wait3A_69 = arith.constant 0 : i32
    %dma_wait3A_70 = tpu.memref_slice %arg11[%dma_wait3A_68, %dma_wait3A_69] : memref<2x40xi32, #tpu.memory_space<vmem>> -> memref<1x40xi32, #tpu.memory_space<vmem>>
    %dma_wait3A_71 = tpu.memref_squeeze %dma_wait3A_70 : memref<1x40xi32, #tpu.memory_space<vmem>> -> memref<40xi32, #tpu.memory_space<vmem>>
    %dma_wait3A_72 = arith.constant 0 : i32
    %dma_wait3A_73 = arith.constant 0 : i32
    %dma_wait3A_74 = tpu.memref_slice %arg32[%dma_wait3A_72, %dma_wait3A_73] : memref<10000x128xf32, #tpu.memory_space<vmem_shared>> -> memref<10000x128xf32, #tpu.memory_space<vmem_shared>>
    tpu.wait_indirect_dma semaphore(%arg27 : memref<!tpu.dma_semaphore, #tpu.memory_space<semaphore_mem>>) src(%arg15 : memref<40x128xf32, #tpu.memory_space<vmem>>) dst(%dma_wait3A_74 : memref<10000x128xf32, #tpu.memory_space<vmem_shared>>)
    %dma_wait3A_75 = arith.constant 0 : i32
    %dma_wait3A_76 = arith.constant 0 : i32
    %dma_wait3A_77 = tpu.memref_slice %arg11[%dma_wait3A_75, %dma_wait3A_76] : memref<2x40xi32, #tpu.memory_space<vmem>> -> memref<1x40xi32, #tpu.memory_space<vmem>>
    %dma_wait3A_78 = tpu.memref_squeeze %dma_wait3A_77 : memref<1x40xi32, #tpu.memory_space<vmem>> -> memref<40xi32, #tpu.memory_space<vmem>>
    %dma_wait3A_79 = arith.constant 0 : i32
    %dma_wait3A_80 = arith.constant 0 : i32
    %dma_wait3A_81 = tpu.memref_slice %arg32[%dma_wait3A_79, %dma_wait3A_80] : memref<10000x128xf32, #tpu.memory_space<vmem_shared>> -> memref<10000x128xf32, #tpu.memory_space<vmem_shared>>
    tpu.wait_indirect_dma semaphore(%arg27 : memref<!tpu.dma_semaphore, #tpu.memory_space<semaphore_mem>>) src(%arg17 : memref<40x128xf32, #tpu.memory_space<vmem>>) dst(%dma_wait3A_81 : memref<10000x128xf32, #tpu.memory_space<vmem_shared>>)
    %dma_wait3A_82 = arith.constant 1 : i32
    %dma_wait3A_83 = arith.constant 0 : i32
    %dma_wait3A_84 = tpu.memref_slice %arg11[%dma_wait3A_82, %dma_wait3A_83] : memref<2x40xi32, #tpu.memory_space<vmem>> -> memref<1x40xi32, #tpu.memory_space<vmem>>
    %dma_wait3A_85 = tpu.memref_squeeze %dma_wait3A_84 : memref<1x40xi32, #tpu.memory_space<vmem>> -> memref<40xi32, #tpu.memory_space<vmem>>
    %dma_wait3A_86 = arith.constant 0 : i32
    %dma_wait3A_87 = arith.constant 0 : i32
    %dma_wait3A_88 = tpu.memref_slice %arg33[%dma_wait3A_86, %dma_wait3A_87] : memref<10000x16xf32, #tpu.memory_space<vmem_shared>> -> memref<10000x16xf32, #tpu.memory_space<vmem_shared>>
    tpu.wait_indirect_dma semaphore(%arg31 : memref<!tpu.dma_semaphore, #tpu.memory_space<semaphore_mem>>) src(%arg19 : memref<40x16xf32, #tpu.memory_space<vmem>>) dst(%dma_wait3A_88 : memref<10000x16xf32, #tpu.memory_space<vmem_shared>>)
    %dma_wait3A_89 = arith.constant 0 : i32
    %dma_wait3A_90 = arith.constant 0 : i32
    %dma_wait3A_91 = tpu.memref_slice %arg11[%dma_wait3A_89, %dma_wait3A_90] : memref<2x40xi32, #tpu.memory_space<vmem>> -> memref<1x40xi32, #tpu.memory_space<vmem>>
    %dma_wait3A_92 = tpu.memref_squeeze %dma_wait3A_91 : memref<1x40xi32, #tpu.memory_space<vmem>> -> memref<40xi32, #tpu.memory_space<vmem>>
    %dma_wait3A_93 = arith.constant 0 : i32
    %dma_wait3A_94 = arith.constant 0 : i32
    %dma_wait3A_95 = tpu.memref_slice %arg33[%dma_wait3A_93, %dma_wait3A_94] : memref<10000x16xf32, #tpu.memory_space<vmem_shared>> -> memref<10000x16xf32, #tpu.memory_space<vmem_shared>>
    tpu.wait_indirect_dma semaphore(%arg31 : memref<!tpu.dma_semaphore, #tpu.memory_space<semaphore_mem>>) src(%arg21 : memref<40x16xf32, #tpu.memory_space<vmem>>) dst(%dma_wait3A_95 : memref<10000x16xf32, #tpu.memory_space<vmem_shared>>)
    %barrier3A_96 = arith.constant 0 : index
    tpu.barrier barrier_id(%barrier3A_96)
    %scan3A_97 = arith.constant 0 : i32
    %scan3A_98 = arith.constant 0 : i32
    %scan3A_99 = arith.constant 16 : i32
    %scan3A_100 = arith.addi %scan3A_98, %scan3A_99 : i32
    %scan3A_101 = arith.constant 1 : i32
    scf.for %scan3A_103 = %scan3A_98 to %scan3A_100 step %scan3A_101  : i32 {
      %mul3A_104 = arith.constant 16 : i32
      %mul3A_105 = arith.muli %scan3A_103, %mul3A_104 : i32
      %add3A_106 = arith.addi %mul3A_105, %arg1 : i32
      %lt3A = arith.constant 250 : i32
      %lt3A_107 = arith.cmpi slt, %add3A_106, %lt3A : i32
      %convert_element_type3A = arith.extui %lt3A_107 : i1 to i32
      %cond3A = arith.constant 0 : i32
      %cond3A_108 = arith.cmpi ne, %convert_element_type3A, %cond3A : i32
      scf.if %cond3A_108 {
        %mul3A_109 = arith.constant 40 : i32
        %mul3A_110 = arith.muli %add3A_106, %mul3A_109 : i32
        "tpu.region"() ({
          %run_scoped3A_111 = tpu.sem_alloc : memref<!tpu.dma_semaphore, #tpu.memory_space<semaphore_mem>>
          %dma_start3A_112 = arith.constant 0 : i32
          %dma_start3A_113 = tpu.memref_slice %arg6[%arg0, %mul3A_110, %dma_start3A_112] : memref<2x10000x128xf32, #tpu.memory_space<hbm>> -> memref<1x40x128xf32, #tpu.memory_space<hbm>>
          %dma_start3A_114 = tpu.memref_squeeze %dma_start3A_113 : memref<1x40x128xf32, #tpu.memory_space<hbm>> -> memref<40x128xf32, #tpu.memory_space<hbm>>
          %dma_start3A_115 = arith.constant 0 : i32
          %dma_start3A_116 = tpu.memref_slice %arg32[%mul3A_110, %dma_start3A_115] : memref<10000x128xf32, #tpu.memory_space<vmem_shared>> -> memref<40x128xf32, #tpu.memory_space<vmem_shared>>
          tpu.enqueue_dma source(%dma_start3A_116 : memref<40x128xf32, #tpu.memory_space<vmem_shared>>) target(%dma_start3A_114 : memref<40x128xf32, #tpu.memory_space<hbm>>) target_semaphore(%run_scoped3A_111 : memref<!tpu.dma_semaphore, #tpu.memory_space<semaphore_mem>>)
          %dma_wait3A_117 = arith.constant 0 : i32
          %dma_wait3A_118 = tpu.memref_slice %arg6[%arg0, %mul3A_110, %dma_wait3A_117] : memref<2x10000x128xf32, #tpu.memory_space<hbm>> -> memref<1x40x128xf32, #tpu.memory_space<hbm>>
          %dma_wait3A_119 = tpu.memref_squeeze %dma_wait3A_118 : memref<1x40x128xf32, #tpu.memory_space<hbm>> -> memref<40x128xf32, #tpu.memory_space<hbm>>
          %dma_wait3A_120 = arith.constant 0 : i32
          %dma_wait3A_121 = tpu.memref_slice %arg32[%mul3A_110, %dma_wait3A_120] : memref<10000x128xf32, #tpu.memory_space<vmem_shared>> -> memref<40x128xf32, #tpu.memory_space<vmem_shared>>
          tpu.wait_dma2 semaphore(%run_scoped3A_111 : memref<!tpu.dma_semaphore, #tpu.memory_space<semaphore_mem>>) src(%dma_wait3A_121 : memref<40x128xf32, #tpu.memory_space<vmem_shared>>) dst(%dma_wait3A_119 : memref<40x128xf32, #tpu.memory_space<hbm>>)
          tpu.yield
        }) : () -> ()
        "tpu.region"() ({
          %run_scoped3A_111 = tpu.sem_alloc : memref<!tpu.dma_semaphore, #tpu.memory_space<semaphore_mem>>
          %dma_start3A_112 = arith.constant 0 : i32
          %dma_start3A_113 = tpu.memref_slice %arg7[%arg0, %mul3A_110, %dma_start3A_112] : memref<2x10000x16xf32, #tpu.memory_space<hbm>> -> memref<1x40x16xf32, #tpu.memory_space<hbm>>
          %dma_start3A_114 = tpu.memref_squeeze %dma_start3A_113 : memref<1x40x16xf32, #tpu.memory_space<hbm>> -> memref<40x16xf32, #tpu.memory_space<hbm>>
          %dma_start3A_115 = arith.constant 0 : i32
          %dma_start3A_116 = tpu.memref_slice %arg33[%mul3A_110, %dma_start3A_115] : memref<10000x16xf32, #tpu.memory_space<vmem_shared>> -> memref<40x16xf32, #tpu.memory_space<vmem_shared>>
          tpu.enqueue_dma source(%dma_start3A_116 : memref<40x16xf32, #tpu.memory_space<vmem_shared>>) target(%dma_start3A_114 : memref<40x16xf32, #tpu.memory_space<hbm>>) target_semaphore(%run_scoped3A_111 : memref<!tpu.dma_semaphore, #tpu.memory_space<semaphore_mem>>)
          %dma_wait3A_117 = arith.constant 0 : i32
          %dma_wait3A_118 = tpu.memref_slice %arg7[%arg0, %mul3A_110, %dma_wait3A_117] : memref<2x10000x16xf32, #tpu.memory_space<hbm>> -> memref<1x40x16xf32, #tpu.memory_space<hbm>>
          %dma_wait3A_119 = tpu.memref_squeeze %dma_wait3A_118 : memref<1x40x16xf32, #tpu.memory_space<hbm>> -> memref<40x16xf32, #tpu.memory_space<hbm>>
          %dma_wait3A_120 = arith.constant 0 : i32
          %dma_wait3A_121 = tpu.memref_slice %arg33[%mul3A_110, %dma_wait3A_120] : memref<10000x16xf32, #tpu.memory_space<vmem_shared>> -> memref<40x16xf32, #tpu.memory_space<vmem_shared>>
          tpu.wait_dma2 semaphore(%run_scoped3A_111 : memref<!tpu.dma_semaphore, #tpu.memory_space<semaphore_mem>>) src(%dma_wait3A_121 : memref<40x16xf32, #tpu.memory_space<vmem_shared>>) dst(%dma_wait3A_119 : memref<40x16xf32, #tpu.memory_space<hbm>>)
          tpu.yield
        }) : () -> ()
      } else {
      }
    }
    %scan3A_102 = arith.constant 16 : i32
    return
  }
}

#map = affine_map<(d0, d1) -> (0, 0)>
#map1 = affine_map<(d0, d1) -> (0)>
module attributes {stable_mosaic.version = 14 : i64} {
  func.func @gk(%arg0: i32, %arg1: i32, %arg2: memref<50000x128xf32, #tpu.memory_space<hbm>>, %arg3: memref<10000xi32, #tpu.memory_space<hbm>>, %arg4: memref<10000x128xf32, #tpu.memory_space<hbm>>, %arg5: memref<80xi32, #tpu.memory_space<vmem>>, %arg6: memref<80x128xf32, #tpu.memory_space<vmem>>, %arg7: memref<!tpu.dma_semaphore, #tpu.memory_space<semaphore_mem>>) attributes {dimension_semantics = [#tpu.dimension_semantics<core_parallel>, #tpu.dimension_semantics<subcore_parallel>], iteration_bounds = array<i64: 2, 16>, scalar_prefetch = 0 : i64, scratch_operands = 3 : i64, tpu.core_type = #tpu.core_type<sc_vector_subcore>, window_params = [{transform_indices = #map}, {transform_indices = #map1}, {transform_indices = #map}]} {
    %mul3A = arith.constant 2 : i32
    %mul3A_0 = arith.muli %arg1, %mul3A : i32
    %add3A = arith.addi %mul3A_0, %arg0 : i32
    %scan3A = arith.constant 0 : i32
    %scan3A_1 = arith.constant 0 : i32
    %scan3A_2 = arith.constant 4 : i32
    %scan3A_3 = arith.addi %scan3A_1, %scan3A_2 : i32
    %scan3A_4 = arith.constant 1 : i32
    scf.for %scan3A_6 = %scan3A_1 to %scan3A_3 step %scan3A_4  : i32 {
      %mul3A_7 = arith.constant 32 : i32
      %mul3A_8 = arith.muli %scan3A_6, %mul3A_7 : i32
      %add3A_9 = arith.addi %mul3A_8, %add3A : i32
      %lt3A = arith.constant 125 : i32
      %lt3A_10 = arith.cmpi slt, %add3A_9, %lt3A : i32
      %convert_element_type3A = arith.extui %lt3A_10 : i1 to i32
      %cond3A = arith.constant 0 : i32
      %cond3A_11 = arith.cmpi ne, %convert_element_type3A, %cond3A : i32
      scf.if %cond3A_11 {
        %mul3A_12 = arith.constant 80 : i32
        %mul3A_13 = arith.muli %add3A_9, %mul3A_12 : i32
        "tpu.region"() ({
          %run_scoped3A = tpu.sem_alloc : memref<!tpu.dma_semaphore, #tpu.memory_space<semaphore_mem>>
          %dma_start3A_18 = tpu.memref_slice %arg3[%mul3A_13] : memref<10000xi32, #tpu.memory_space<hbm>> -> memref<80xi32, #tpu.memory_space<hbm>>
          %dma_start3A_19 = tpu.memref_slice %arg3[%mul3A_13] : memref<10000xi32, #tpu.memory_space<hbm>> -> memref<80xi32, #tpu.memory_space<hbm>>
          tpu.enqueue_dma source(%dma_start3A_19 : memref<80xi32, #tpu.memory_space<hbm>>) target(%arg5 : memref<80xi32, #tpu.memory_space<vmem>>) target_semaphore(%run_scoped3A : memref<!tpu.dma_semaphore, #tpu.memory_space<semaphore_mem>>)
          %dma_wait3A_20 = tpu.memref_slice %arg3[%mul3A_13] : memref<10000xi32, #tpu.memory_space<hbm>> -> memref<80xi32, #tpu.memory_space<hbm>>
          %dma_wait3A_21 = tpu.memref_slice %arg3[%mul3A_13] : memref<10000xi32, #tpu.memory_space<hbm>> -> memref<80xi32, #tpu.memory_space<hbm>>
          tpu.wait_dma2 semaphore(%run_scoped3A : memref<!tpu.dma_semaphore, #tpu.memory_space<semaphore_mem>>) src(%dma_wait3A_21 : memref<80xi32, #tpu.memory_space<hbm>>) dst(%arg5 : memref<80xi32, #tpu.memory_space<vmem>>)
          tpu.yield
        }) : () -> ()
        %dma_start3A = arith.constant 0 : i32
        %dma_start3A_14 = arith.constant 0 : i32
        %dma_start3A_15 = tpu.memref_slice %arg2[%dma_start3A, %dma_start3A_14] : memref<50000x128xf32, #tpu.memory_space<hbm>> -> memref<50000x128xf32, #tpu.memory_space<hbm>>
        tpu.enqueue_indirect_dma source(%dma_start3A_15 : memref<50000x128xf32, #tpu.memory_space<hbm>>) target(%arg6 : memref<80x128xf32, #tpu.memory_space<vmem>>) offsets(%arg5 : memref<80xi32, #tpu.memory_space<vmem>>) semaphore(%arg7 : memref<!tpu.dma_semaphore, #tpu.memory_space<semaphore_mem>>)
        %dma_wait3A = arith.constant 0 : i32
        %dma_wait3A_16 = arith.constant 0 : i32
        %dma_wait3A_17 = tpu.memref_slice %arg2[%dma_wait3A, %dma_wait3A_16] : memref<50000x128xf32, #tpu.memory_space<hbm>> -> memref<50000x128xf32, #tpu.memory_space<hbm>>
        tpu.wait_indirect_dma semaphore(%arg7 : memref<!tpu.dma_semaphore, #tpu.memory_space<semaphore_mem>>) src(%dma_wait3A_17 : memref<50000x128xf32, #tpu.memory_space<hbm>>) dst(%arg6 : memref<80x128xf32, #tpu.memory_space<vmem>>)
        "tpu.region"() ({
          %run_scoped3A = tpu.sem_alloc : memref<!tpu.dma_semaphore, #tpu.memory_space<semaphore_mem>>
          %dma_start3A_18 = arith.constant 0 : i32
          %dma_start3A_19 = tpu.memref_slice %arg4[%mul3A_13, %dma_start3A_18] : memref<10000x128xf32, #tpu.memory_space<hbm>> -> memref<80x128xf32, #tpu.memory_space<hbm>>
          %dma_start3A_20 = arith.constant 0 : i32
          %dma_start3A_21 = tpu.memref_slice %arg4[%mul3A_13, %dma_start3A_20] : memref<10000x128xf32, #tpu.memory_space<hbm>> -> memref<80x128xf32, #tpu.memory_space<hbm>>
          tpu.enqueue_dma source(%arg6 : memref<80x128xf32, #tpu.memory_space<vmem>>) target(%dma_start3A_21 : memref<80x128xf32, #tpu.memory_space<hbm>>) target_semaphore(%run_scoped3A : memref<!tpu.dma_semaphore, #tpu.memory_space<semaphore_mem>>)
          %dma_wait3A_22 = arith.constant 0 : i32
          %dma_wait3A_23 = tpu.memref_slice %arg4[%mul3A_13, %dma_wait3A_22] : memref<10000x128xf32, #tpu.memory_space<hbm>> -> memref<80x128xf32, #tpu.memory_space<hbm>>
          %dma_wait3A_24 = arith.constant 0 : i32
          %dma_wait3A_25 = tpu.memref_slice %arg4[%mul3A_13, %dma_wait3A_24] : memref<10000x128xf32, #tpu.memory_space<hbm>> -> memref<80x128xf32, #tpu.memory_space<hbm>>
          tpu.wait_dma2 semaphore(%run_scoped3A : memref<!tpu.dma_semaphore, #tpu.memory_space<semaphore_mem>>) src(%arg6 : memref<80x128xf32, #tpu.memory_space<vmem>>) dst(%dma_wait3A_25 : memref<80x128xf32, #tpu.memory_space<hbm>>)
          tpu.yield
        }) : () -> ()
      } else {
      }
    }
    %scan3A_5 = arith.constant 4 : i32
    return
  }
}

module attributes {stable_mosaic.version = 14 : i64} {
  func.func @body(%arg0: i32, %arg1: memref<64x128xf32, #tpu.memory_space<vmem>>, %arg2: memref<64x128xf32, #tpu.memory_space<vmem>>, %arg3: memref<1x128xf32, #tpu.memory_space<vmem>>, %arg4: memref<1x128xf32, #tpu.memory_space<vmem>>, %arg5: memref<1x1x6400xi32, #tpu.memory_space<vmem>>, %arg6: memref<1x1x6400xi32, #tpu.memory_space<vmem>>, %arg7: memref<1x1x6400xf32, #tpu.memory_space<vmem>>, %arg8: memref<1x1x6400xf32, #tpu.memory_space<vmem>>) attributes {dimension_semantics = [#tpu.dimension_semantics<arbitrary>], iteration_bounds = array<i64: 50>, scalar_prefetch = 0 : i64, scratch_operands = 0 : i64, tpu.core_type = #tpu.core_type<tc>, window_params = [{pipeline_mode = #tpu.pipeline_mode<synchronous>, transform_indices = @transform_0, window_bounds = array<i64: 64, 128>}, {pipeline_mode = #tpu.pipeline_mode<synchronous>, transform_indices = @transform_1, window_bounds = array<i64: 64, 128>}, {pipeline_mode = #tpu.pipeline_mode<synchronous>, transform_indices = @transform_2, window_bounds = array<i64: 1, 128>}, {pipeline_mode = #tpu.pipeline_mode<synchronous>, transform_indices = @transform_3, window_bounds = array<i64: 1, 128>}, {transform_indices = @transform_4, window_bounds = array<i64: 1, 1, 6400>}, {transform_indices = @transform_5, window_bounds = array<i64: 1, 1, 6400>}, {transform_indices = @transform_6, window_bounds = array<i64: 1, 1, 6400>}, {transform_indices = @transform_7, window_bounds = array<i64: 1, 1, 6400>}]} {
    %get3A = arith.constant 0 : index
    %get3A_0 = arith.constant 0 : index
    %get3A_1 = vector.load %arg1[%get3A, %get3A_0] : memref<64x128xf32, #tpu.memory_space<vmem>>, vector<64x128xf32>
    %get3A_2 = arith.constant 0 : index
    %get3A_3 = arith.constant 0 : index
    %get3A_4 = vector.load %arg3[%get3A_2, %get3A_3] : memref<1x128xf32, #tpu.memory_space<vmem>>, vector<1x128xf32>
    %mul3A = vector.broadcast %get3A_4 : vector<1x128xf32> to vector<64x128xf32>
    %mul3A_5 = arith.mulf %get3A_1, %mul3A : vector<64x128xf32>
    %reduce_sum3A = arith.constant dense<0.000000e+00> : vector<64xf32>
    %reduce_sum3A_6 = vector.multi_reduction <add>, %mul3A_5, %reduce_sum3A [1] : vector<64x128xf32> to vector<64xf32>
    %broadcast_in_dim3A = vector.shape_cast %reduce_sum3A_6 : vector<64xf32> to vector<64x1xf32>
    %get3A_7 = arith.constant 0 : index
    %get3A_8 = arith.constant 0 : index
    %get3A_9 = vector.load %arg1[%get3A_7, %get3A_8] : memref<64x128xf32, #tpu.memory_space<vmem>>, vector<64x128xf32>
    %get3A_10 = arith.constant 0 : index
    %get3A_11 = arith.constant 0 : index
    %get3A_12 = vector.load %arg4[%get3A_10, %get3A_11] : memref<1x128xf32, #tpu.memory_space<vmem>>, vector<1x128xf32>
    %mul3A_13 = vector.broadcast %get3A_12 : vector<1x128xf32> to vector<64x128xf32>
    %mul3A_14 = arith.mulf %get3A_9, %mul3A_13 : vector<64x128xf32>
    %reduce_sum3A_15 = arith.constant dense<0.000000e+00> : vector<64xf32>
    %reduce_sum3A_16 = vector.multi_reduction <add>, %mul3A_14, %reduce_sum3A_15 [1] : vector<64x128xf32> to vector<64xf32>
    %broadcast_in_dim3A_17 = vector.shape_cast %reduce_sum3A_16 : vector<64xf32> to vector<64x1xf32>
    %get3A_18 = arith.constant 0 : index
    %get3A_19 = arith.constant 0 : index
    %get3A_20 = vector.load %arg2[%get3A_18, %get3A_19] : memref<64x128xf32, #tpu.memory_space<vmem>>, vector<64x128xf32>
    %get3A_21 = arith.constant 0 : index
    %get3A_22 = arith.constant 0 : index
    %get3A_23 = vector.load %arg3[%get3A_21, %get3A_22] : memref<1x128xf32, #tpu.memory_space<vmem>>, vector<1x128xf32>
    %mul3A_24 = vector.broadcast %get3A_23 : vector<1x128xf32> to vector<64x128xf32>
    %mul3A_25 = arith.mulf %get3A_20, %mul3A_24 : vector<64x128xf32>
    %reduce_sum3A_26 = arith.constant dense<0.000000e+00> : vector<64xf32>
    %reduce_sum3A_27 = vector.multi_reduction <add>, %mul3A_25, %reduce_sum3A_26 [1] : vector<64x128xf32> to vector<64xf32>
    %broadcast_in_dim3A_28 = vector.shape_cast %reduce_sum3A_27 : vector<64xf32> to vector<64x1xf32>
    %get3A_29 = arith.constant 0 : index
    %get3A_30 = arith.constant 0 : index
    %get3A_31 = vector.load %arg2[%get3A_29, %get3A_30] : memref<64x128xf32, #tpu.memory_space<vmem>>, vector<64x128xf32>
    %get3A_32 = arith.constant 0 : index
    %get3A_33 = arith.constant 0 : index
    %get3A_34 = vector.load %arg4[%get3A_32, %get3A_33] : memref<1x128xf32, #tpu.memory_space<vmem>>, vector<1x128xf32>
    %mul3A_35 = vector.broadcast %get3A_34 : vector<1x128xf32> to vector<64x128xf32>
    %mul3A_36 = arith.mulf %get3A_31, %mul3A_35 : vector<64x128xf32>
    %reduce_sum3A_37 = arith.constant dense<0.000000e+00> : vector<64xf32>
    %reduce_sum3A_38 = vector.multi_reduction <add>, %mul3A_36, %reduce_sum3A_37 [1] : vector<64x128xf32> to vector<64xf32>
    %broadcast_in_dim3A_39 = vector.shape_cast %reduce_sum3A_38 : vector<64xf32> to vector<64x1xf32>
    %get3A_40 = arith.constant 0 : index
    %get3A_41 = arith.constant 0 : index
    %get3A_42 = arith.constant 0 : index
    %get3A_43 = vector.load %arg5[%get3A_40, %get3A_41, %get3A_42] : memref<1x1x6400xi32, #tpu.memory_space<vmem>>, vector<1x1x6400xi32>
    %get3A_44 = vector.shape_cast %get3A_43 : vector<1x1x6400xi32> to vector<6400xi32>
    %get3A_45 = arith.constant 0 : index
    %get3A_46 = arith.constant 0 : index
    %get3A_47 = arith.constant 0 : index
    %get3A_48 = vector.load %arg6[%get3A_45, %get3A_46, %get3A_47] : memref<1x1x6400xi32, #tpu.memory_space<vmem>>, vector<1x1x6400xi32>
    %get3A_49 = vector.shape_cast %get3A_48 : vector<1x1x6400xi32> to vector<6400xi32>
    %iota3A = tpu.iota {dimensions = array<i32: 0>} : vector<64x6400xi32>
    %broadcast_in_dim3A_50 = vector.shape_cast %get3A_44 : vector<6400xi32> to vector<1x6400xi32>
    %eq3A = vector.broadcast %broadcast_in_dim3A_50 : vector<1x6400xi32> to vector<64x6400xi32>
    %eq3A_51 = arith.cmpi eq, %iota3A, %eq3A : vector<64x6400xi32>
    %iota3A_52 = tpu.iota {dimensions = array<i32: 0>} : vector<64x6400xi32>
    %broadcast_in_dim3A_53 = vector.shape_cast %get3A_49 : vector<6400xi32> to vector<1x6400xi32>
    %eq3A_54 = vector.broadcast %broadcast_in_dim3A_53 : vector<1x6400xi32> to vector<64x6400xi32>
    %eq3A_55 = arith.cmpi eq, %iota3A_52, %eq3A_54 : vector<64x6400xi32>
    %broadcast_in_dim3A_56 = arith.constant 0.000000e+00 : f32
    %broadcast_in_dim3A_57 = vector.broadcast %broadcast_in_dim3A_56 : f32 to vector<64x6400xf32>
    %broadcast_in_dim3A_58 = arith.constant 0.000000e+00 : f32
    %broadcast_in_dim3A_59 = vector.broadcast %broadcast_in_dim3A_58 : f32 to vector<64x6400xf32>
    %broadcast_in_dim3A_60 = vector.shape_cast %broadcast_in_dim3A : vector<64x1xf32> to vector<64x1xf32>
    %broadcast_in_dim3A_61 = vector.broadcast %broadcast_in_dim3A_60 : vector<64x1xf32> to vector<64x6400xf32>
    %select_n3A = arith.select %eq3A_51, %broadcast_in_dim3A_61, %broadcast_in_dim3A_57 : vector<64x6400xi1>, vector<64x6400xf32>
    %reduce_sum3A_62 = arith.constant dense<0.000000e+00> : vector<6400xf32>
    %reduce_sum3A_63 = vector.multi_reduction <add>, %select_n3A, %reduce_sum3A_62 [0] : vector<64x6400xf32> to vector<6400xf32>
    %broadcast_in_dim3A_64 = vector.shape_cast %broadcast_in_dim3A_28 : vector<64x1xf32> to vector<64x1xf32>
    %broadcast_in_dim3A_65 = vector.broadcast %broadcast_in_dim3A_64 : vector<64x1xf32> to vector<64x6400xf32>
    %select_n3A_66 = arith.select %eq3A_55, %broadcast_in_dim3A_65, %broadcast_in_dim3A_59 : vector<64x6400xi1>, vector<64x6400xf32>
    %reduce_sum3A_67 = arith.constant dense<0.000000e+00> : vector<6400xf32>
    %reduce_sum3A_68 = vector.multi_reduction <add>, %select_n3A_66, %reduce_sum3A_67 [0] : vector<64x6400xf32> to vector<6400xf32>
    %add3A = arith.addf %reduce_sum3A_63, %reduce_sum3A_68 : vector<6400xf32>
    %swap3A = arith.constant 0 : index
    %swap3A_69 = arith.constant 0 : index
    %swap3A_70 = arith.constant 0 : index
    %swap3A_71 = vector.load %arg7[%swap3A, %swap3A_69, %swap3A_70] : memref<1x1x6400xf32, #tpu.memory_space<vmem>>, vector<1x1x6400xf32>
    %swap3A_72 = vector.shape_cast %swap3A_71 : vector<1x1x6400xf32> to vector<6400xf32>
    %swap3A_73 = vector.shape_cast %add3A : vector<6400xf32> to vector<1x1x6400xf32>
    tpu.vector_store %arg7[%swap3A, %swap3A_69, %swap3A_70], %swap3A_73 {strides = array<i32>} : memref<1x1x6400xf32, #tpu.memory_space<vmem>>, vector<1x1x6400xf32>,
    %broadcast_in_dim3A_74 = vector.shape_cast %broadcast_in_dim3A_17 : vector<64x1xf32> to vector<64x1xf32>
    %broadcast_in_dim3A_75 = vector.broadcast %broadcast_in_dim3A_74 : vector<64x1xf32> to vector<64x6400xf32>
    %select_n3A_76 = arith.select %eq3A_51, %broadcast_in_dim3A_75, %broadcast_in_dim3A_57 : vector<64x6400xi1>, vector<64x6400xf32>
    %reduce_sum3A_77 = arith.constant dense<0.000000e+00> : vector<6400xf32>
    %reduce_sum3A_78 = vector.multi_reduction <add>, %select_n3A_76, %reduce_sum3A_77 [0] : vector<64x6400xf32> to vector<6400xf32>
    %broadcast_in_dim3A_79 = vector.shape_cast %broadcast_in_dim3A_39 : vector<64x1xf32> to vector<64x1xf32>
    %broadcast_in_dim3A_80 = vector.broadcast %broadcast_in_dim3A_79 : vector<64x1xf32> to vector<64x6400xf32>
    %select_n3A_81 = arith.select %eq3A_55, %broadcast_in_dim3A_80, %broadcast_in_dim3A_59 : vector<64x6400xi1>, vector<64x6400xf32>
    %reduce_sum3A_82 = arith.constant dense<0.000000e+00> : vector<6400xf32>
    %reduce_sum3A_83 = vector.multi_reduction <add>, %select_n3A_81, %reduce_sum3A_82 [0] : vector<64x6400xf32> to vector<6400xf32>
    %add3A_84 = arith.addf %reduce_sum3A_78, %reduce_sum3A_83 : vector<6400xf32>
    %swap3A_85 = arith.constant 0 : index
    %swap3A_86 = arith.constant 0 : index
    %swap3A_87 = arith.constant 0 : index
    %swap3A_88 = vector.load %arg8[%swap3A_85, %swap3A_86, %swap3A_87] : memref<1x1x6400xf32, #tpu.memory_space<vmem>>, vector<1x1x6400xf32>
    %swap3A_89 = vector.shape_cast %swap3A_88 : vector<1x1x6400xf32> to vector<6400xf32>
    %swap3A_90 = vector.shape_cast %add3A_84 : vector<6400xf32> to vector<1x1x6400xf32>
    tpu.vector_store %arg8[%swap3A_85, %swap3A_86, %swap3A_87], %swap3A_90 {strides = array<i32>} : memref<1x1x6400xf32, #tpu.memory_space<vmem>>, vector<1x1x6400xf32>,
    return
  }
  func.func @transform_0(%arg0: i32) -> (i32, i32) {
    %c0_i32 = arith.constant 0 : i32
    %c0_i32_0 = arith.constant 0 : i32
    %c0_i32_1 = arith.constant 0 : i32
    return %c0_i32, %c0_i32_0 : i32, i32
  }
  func.func @transform_1(%arg0: i32) -> (i32, i32) {
    %c0_i32 = arith.constant 0 : i32
    %c0_i32_0 = arith.constant 0 : i32
    %c0_i32_1 = arith.constant 0 : i32
    return %c0_i32, %c0_i32_0 : i32, i32
  }
  func.func @transform_2(%arg0: i32) -> (i32, i32) {
    %c0_i32 = arith.constant 0 : i32
    %c0_i32_0 = arith.constant 0 : i32
    %c0_i32_1 = arith.constant 0 : i32
    return %c0_i32, %c0_i32_0 : i32, i32
  }
  func.func @transform_3(%arg0: i32) -> (i32, i32) {
    %c0_i32 = arith.constant 0 : i32
    %c0_i32_0 = arith.constant 0 : i32
    %c0_i32_1 = arith.constant 0 : i32
    return %c0_i32, %c0_i32_0 : i32, i32
  }
  func.func @transform_4(%arg0: i32) -> (i32, i32, i32) {
    %c0_i32 = arith.constant 0 : i32
    %c0_i32_0 = arith.constant 0 : i32
    %c0_i32_1 = arith.constant 0 : i32
    return %arg0, %c0_i32, %c0_i32_0 : i32, i32, i32
  }
  func.func @transform_5(%arg0: i32) -> (i32, i32, i32) {
    %c0_i32 = arith.constant 0 : i32
    %c0_i32_0 = arith.constant 0 : i32
    %c0_i32_1 = arith.constant 0 : i32
    return %arg0, %c0_i32, %c0_i32_0 : i32, i32, i32
  }
  func.func @transform_6(%arg0: i32) -> (i32, i32, i32) {
    %c0_i32 = arith.constant 0 : i32
    %c0_i32_0 = arith.constant 0 : i32
    %c0_i32_1 = arith.constant 0 : i32
    return %arg0, %c0_i32, %c0_i32_0 : i32, i32, i32
  }
  func.func @transform_7(%arg0: i32) -> (i32, i32, i32) {
    %c0_i32 = arith.constant 0 : i32
    %c0_i32_0 = arith.constant 0 : i32
    %c0_i32_1 = arith.constant 0 : i32
    return %arg0, %c0_i32, %c0_i32_0 : i32, i32, i32
  }
}

module attributes {stable_mosaic.version = 14 : i64} {
  func.func @body(%arg0: i32, %arg1: memref<2x2000x128xf32, #tpu.memory_space<vmem>>, %arg2: memref<2x2000x16xf32, #tpu.memory_space<vmem>>, %arg3: memref<2000x128xf32, #tpu.memory_space<vmem>>) attributes {dimension_semantics = [#tpu.dimension_semantics<arbitrary>], iteration_bounds = array<i64: 5>, scalar_prefetch = 0 : i64, scratch_operands = 0 : i64, tpu.core_type = #tpu.core_type<tc>, window_params = [{transform_indices = @transform_0, window_bounds = array<i64: 2, 2000, 128>}, {transform_indices = @transform_1, window_bounds = array<i64: 2, 2000, 16>}, {transform_indices = @transform_2, window_bounds = array<i64: 2000, 128>}]} {
    %get3A = arith.constant 0 : index
    %get3A_0 = arith.constant 0 : index
    %get3A_1 = arith.constant 0 : index
    %get3A_2 = vector.load %arg1[%get3A, %get3A_0, %get3A_1] : memref<2x2000x128xf32, #tpu.memory_space<vmem>>, vector<1x2000x128xf32>
    %get3A_3 = vector.shape_cast %get3A_2 : vector<1x2000x128xf32> to vector<2000x128xf32>
    %get3A_4 = arith.constant 1 : index
    %get3A_5 = arith.constant 0 : index
    %get3A_6 = arith.constant 0 : index
    %get3A_7 = vector.load %arg1[%get3A_4, %get3A_5, %get3A_6] : memref<2x2000x128xf32, #tpu.memory_space<vmem>>, vector<1x2000x128xf32>
    %get3A_8 = vector.shape_cast %get3A_7 : vector<1x2000x128xf32> to vector<2000x128xf32>
    %add3A = arith.addf %get3A_3, %get3A_8 : vector<2000x128xf32>
    %get3A_9 = arith.constant 0 : index
    %get3A_10 = arith.constant 0 : index
    %get3A_11 = arith.constant 0 : index
    %get3A_12 = vector.load %arg2[%get3A_9, %get3A_10, %get3A_11] : memref<2x2000x16xf32, #tpu.memory_space<vmem>>, vector<1x2000x1xf32>
    %get3A_13 = vector.shape_cast %get3A_12 : vector<1x2000x1xf32> to vector<2000x1xf32>
    %get3A_14 = arith.constant 1 : index
    %get3A_15 = arith.constant 0 : index
    %get3A_16 = arith.constant 0 : index
    %get3A_17 = vector.load %arg2[%get3A_14, %get3A_15, %get3A_16] : memref<2x2000x16xf32, #tpu.memory_space<vmem>>, vector<1x2000x1xf32>
    %get3A_18 = vector.shape_cast %get3A_17 : vector<1x2000x1xf32> to vector<2000x1xf32>
    %add3A_19 = arith.addf %get3A_13, %get3A_18 : vector<2000x1xf32>
    %add3A_20 = arith.constant 1.000000e-16 : f32
    %add3A_21 = vector.broadcast %add3A_20 : f32 to vector<2000x1xf32>
    %add3A_22 = arith.addf %add3A_19, %add3A_21 : vector<2000x1xf32>
    %div3A = vector.broadcast %add3A_22 : vector<2000x1xf32> to vector<2000x128xf32>
    %div3A_23 = arith.divf %add3A, %div3A : vector<2000x128xf32>
    %swap3A = arith.constant 0 : index
    %swap3A_24 = arith.constant 0 : index
    %swap3A_25 = vector.load %arg3[%swap3A, %swap3A_24] : memref<2000x128xf32, #tpu.memory_space<vmem>>, vector<2000x128xf32>
    tpu.vector_store %arg3[%swap3A, %swap3A_24], %div3A_23 {strides = array<i32>} : memref<2000x128xf32, #tpu.memory_space<vmem>>, vector<2000x128xf32>,
    return
  }
  func.func @transform_0(%arg0: i32) -> (i32, i32, i32) {
    %c0_i32 = arith.constant 0 : i32
    %c0_i32_0 = arith.constant 0 : i32
    %c0_i32_1 = arith.constant 0 : i32
    return %c0_i32, %arg0, %c0_i32_0 : i32, i32, i32
  }
  func.func @transform_1(%arg0: i32) -> (i32, i32, i32) {
    %c0_i32 = arith.constant 0 : i32
    %c0_i32_0 = arith.constant 0 : i32
    %c0_i32_1 = arith.constant 0 : i32
    return %c0_i32, %arg0, %c0_i32_0 : i32, i32, i32
  }
  func.func @transform_2(%arg0: i32) -> (i32, i32) {
    %c0_i32 = arith.constant 0 : i32
    %c0_i32_0 = arith.constant 0 : i32
    return %arg0, %c0_i32 : i32, i32
  }
}

</mosaic_0001>

<sc_bundles>
// kernel: kernel.6.cloned.1.call-start
scs
__scs_entry_jumppad:
0x0: {  	(pc) =	sbr.rel $0x88, $3  }
0x1: {  	(tag) =	ssettag $0x0;
	lr =	simm.s32 $0x1  }
0x2: {  	[smem:$0x3F98] =	sst lr;
	_ =	strace $0xD0000000  }
0x3: {  	_ = 	snop  }
0x4: {  	_ = 	snop  }
0x5: {  	_ = 	snop  }
0x6: {  	_ = 	snop  }
0x7: {  	_ = 	snop  }
__scs_overlays_trampoline_lowered:
0x8: {  	[smem:$0x3FA7] =	sst s0  }
0x9: {  	[smem:$0x3FA8] =	sst s1  }
0xa: {  	[smem:$0x3FA9] =	sst s2  }
0xb: {  	[smem:$0x3FAA] =	sst s3  }
0xc: {  	[smem:$0x3FAB] =	sst s4  }
0xd: {  	[smem:$0x3FAC] =	sst s5  }
0xe: {  	[smem:$0x3FAD] =	sst s6  }
0xf: {  	[smem:$0x3FAE] =	sst s7  }
0x10: {  	[smem:$0x3FAF] =	sst s8  }
0x11: {  	[smem:$0x3FB0] =	sst s9;
	s0 =	simm.s32 @!p0 $0x0  }
0x12: {  	s1 =	sld [smem:$0x3F96];
	s0 =	simm.s32 @p0 $0x1  }
0x13: {  	[smem:$0x3FB1] =	sst s0;
	s0 =	simm.s32 @!p1 $0x0  }
0x14: {  	s2 =	sld [smem:$0x3F95];
	s0 =	simm.s32 @p1 $0x1  }
0x15: {  	[smem:$0x3FB2] =	sst s0;
	s0 =	simm.s32 @!p2 $0x0  }
0x16: {  	s3 =	sld [smem:$0x3FDB];
	s0 =	simm.s32 @p2 $0x1  }
0x17: {  	s4 =	simm.s32 $0x1BF5;
	[smem:$0x3FB4] =	sst s0  }
0x18: {  	s0 =	sld [smem:$0x3F97];
	_ =	swait.ge [sflag:s4], $0x0  }
0x19: {  	s7 =	sld [smem:$0x3F98]  }
0x1a: {  	s8 =	sadd.s32 $0xFFFFE003, lr  }
0x1b: {  	s9 =	sadd.s32 $0xFFFFFEF7, lr;
	s5 =	simm.s32 $0xFFFFFFFF;
	p2 =	slt.u32 s8, $0xFFFFF086  }
0x1c: {  	p1 =	slt.u32 s9, $0xF7A;
	s5 =	simm.s32 @!p2 $0x0  }
0x1d: {  	s5 =	simm.s32 @p1 $0x1;
	p0 =	seq.s32 s7, s2  }
0x1e: {  	s7 =	smul.u32 @!p0 $0xF7A, s2;
	p2 =	seq.s32 @!p0 s5, $0x0  }
0x1f: {  	s9 =	smul.u32 $0xF7A, s1;
	s8 =	simm.s32 @!p0 $0x1BF5;
	p2 =	por !p2, p0  }
0x20: {  	[sflag:s8] =	ssyncset.s32 @!p0 $0xFFFFF086;
	s6 =	sadd.s32 @!p0 s3, s7;
	s7 =	simm.s32 @!p0 $0x108  }
0x21: {  	s3 =	sadd.s32 s3, s9;
	s6 =	sadd.s32 @!p0 $0x88, s6;
	s7 =	simm.s32 @p2 $0x1082  }
0x22: {  	[simem:s7], [sflag:s8] =	dma.local @!p0 [hbm:s6], $0xF7A  }
0x23: {  	s9 =	sor.u32 $0xD0000000, s2;
	s6 =	simm.s32 $0x108;
	_ =	swait.ge @!p0 [sflag:s8], $0x0  }
0x24: {  	s3 =	sadd.s32 $0x88, s3;
	s6 =	simm.s32 @!p1 $0x1082;
	[sflag:s4] =	ssyncset.s32 $0xFFFFF086  }
0x25: {  	[simem:s6], [sflag:s4] =	dma.local [hbm:s3], $0xF7A  }
0x26: {  	[smem:$0x3F98] =	sst s1;
	(tag) =	ssettag s2;
	_ =	strace s9  }
0x27: {  	s1 =	sld [smem:$0x3FA8]  }
0x28: {  	s2 =	sld [smem:$0x3FA9]  }
0x29: {  	s4 =	sld [smem:$0x3FAB]  }
0x2a: {  	p0 =	seq.s32 s5, $0x0;
	s5 =	sld [smem:$0x3FAC]  }
0x2b: {  	s6 =	sld [smem:$0x3FAD]  }
0x2c: {  	s7 =	sld [smem:$0x3FAE]  }
0x2d: {  	s3 =	simm.s32 $0x108;
	s8 =	sld [smem:$0x3FAF]  }
0x2e: {  	s3 =	simm.s32 @!p0 $0x1082;
	s9 =	sld [smem:$0x3FB0]  }
0x2f: {  	lr =	sadd.s32 s0, s3;
	s0 =	sld [smem:$0x3FA7]  }
0x30: {  	s3 =	sld [smem:$0x3FAA]  }
0x31: {  	[smem:$0x3FB3] =	sst s10  }
0x32: {  	s10 =	sld [smem:$0x3FB1];
	_ =	sdelay $0x3  }
0x33: {  	p0 =	seq.s32 s10, $0x1;
	s10 =	sld [smem:$0x3FB3];
	_ =	sdelay $0x3  }
0x34: {  	[smem:$0x3FB3] =	sst s10  }
0x35: {  	s10 =	sld [smem:$0x3FB2];
	_ =	sdelay $0x3  }
0x36: {  	p1 =	seq.s32 s10, $0x1;
	s10 =	sld [smem:$0x3FB3];
	_ =	sdelay $0x3  }
0x37: {  	[smem:$0x3FB3] =	sst s10  }
0x38: {  	s10 =	sld [smem:$0x3FB4]  }
0x39: {  	_ = 	snop;
	(pc) =	sbr.ind lr, $3  }
0x3a: {  	_ = 	snop  }
0x3b: {  	_ = 	snop  }
0x3c: {  	p2 =	seq.s32 s10, $0x1;
	s10 =	sld [smem:$0x3FB3]  }
0x3d: {  	_ =	shalt  }
0x3e: {  	_ =	shalt  }
0x3f: {  	_ =	shalt  }
0x40: {  	_ =	shalt  }
0x41: {  	_ =	shalt  }
0x42: {  	_ =	shalt  }
0x43: {  	_ =	shalt  }
0x44: {  	_ =	shalt  }
0x45: {  	_ =	shalt  }
0x46: {  	_ =	shalt  }
0x47: {  	_ =	shalt  }
0x48: {  	_ =	shalt  }
0x49: {  	_ =	shalt  }
0x4a: {  	_ =	shalt  }
0x4b: {  	_ =	shalt  }
0x4c: {  	_ =	shalt  }
0x4d: {  	_ =	shalt  }
0x4e: {  	_ =	shalt  }
0x4f: {  	_ =	shalt  }
0x50: {  	_ =	shalt  }
0x51: {  	_ =	shalt  }
0x52: {  	_ =	shalt  }
0x53: {  	_ =	shalt  }
0x54: {  	_ =	shalt  }
0x55: {  	_ =	shalt  }
0x56: {  	_ =	shalt  }
0x57: {  	_ =	shalt  }
0x58: {  	_ =	shalt  }
0x59: {  	_ =	shalt  }
0x5a: {  	_ =	shalt  }
0x5b: {  	_ =	shalt  }
0x5c: {  	_ =	shalt  }
0x5d: {  	_ =	shalt  }
0x5e: {  	_ =	shalt  }
0x5f: {  	_ =	shalt  }
0x60: {  	_ =	shalt  }
0x61: {  	_ =	shalt  }
0x62: {  	_ =	shalt  }
0x63: {  	_ =	shalt  }
0x64: {  	_ =	shalt  }
0x65: {  	_ =	shalt  }
0x66: {  	_ =	shalt  }
0x67: {  	_ =	shalt  }
0x68: {  	_ =	shalt  }
0x69: {  	_ =	shalt  }
0x6a: {  	_ =	shalt  }
0x6b: {  	_ =	shalt  }
0x6c: {  	_ =	shalt  }
0x6d: {  	_ =	shalt  }
0x6e: {  	_ =	shalt  }
0x6f: {  	_ =	shalt  }
0x70: {  	_ =	shalt  }
0x71: {  	_ =	shalt  }
0x72: {  	_ =	shalt  }
0x73: {  	_ =	shalt  }
0x74: {  	_ =	shalt  }
0x75: {  	_ =	shalt  }
0x76: {  	_ =	shalt  }
0x77: {  	_ =	shalt  }
0x78: {  	_ =	shalt  }
0x79: {  	_ =	shalt  }
0x7a: {  	_ =	shalt  }
0x7b: {  	_ =	shalt  }
0x7c: {  	_ =	shalt  }
0x7d: {  	_ =	shalt  }
0x7e: {  	_ =	shalt  }
0x7f: {  	_ =	shalt  }
0x80: {  	_ =	shalt  }
0x81: {  	_ =	shalt  }
0x82: {  	_ =	shalt  }
0x83: {  	_ =	shalt  }
0x84: {  	_ =	shalt  }
0x85: {  	_ =	shalt  }
0x86: {  	_ =	shalt  }
0x87: {  	_ =	shalt  }
.Lfunc_end0:
.L_simem_size_0:
called_computation_lowered:
.L_overlay_start_0:
0x88: {  	s2 =	sld [smem:$0x3FD9]  }
0x89: {  	s3 =	sld [smem:$0x3FFE];
	_ =	sdelay $0x1  }
0x8a: {  	s1 =	srdreg.scid  }
0x8b: {  	s0 =	sand.u32 $0x1, s1  }
0x8c: {  	s18 =	sshll.u32 s0, $0xA;
	s2 =	sadd.s32 s3, s2  }
0x8d: {  	s2 =	sadd.s32 s2, s18  }
0x8e: {  	[smem:$0x3FBF] =	sst s2  }
0x8f: {  	_ = 	snop  }
0x90: {  	s2 =	sld [smem:$0x3FC9]  }
0x91: {  	s19 =	sld [smem:$0x3FC4]  }
0x92: {  	s4 =	sld [smem:$0x3FD0];
	(tm) =	ssettm $0x1  }
0x93: {  	s5 =	sld [smem:$0x3FFB];
	_ =	sdelay $0x3  }
0x94: {  	_ =	strace s5  }
0x95: {  	s5 =	sld [smem:$0x3FFC];
	_ =	sdelay $0x3  }
0x96: {  	_ =	strace s5  }
0x97: {  	s5 =	sld [smem:$0x3FFD];
	_ =	sdelay $0x3  }
0x98: {  	_ =	strace s5  }
0x99: {  	_ =	strace $0x8FFFFFFF  }
0x9a: {  	s20 =	sld [smem:$0x3FDB];
	_ =	sdelay $0x1  }
0x9b: {  	s6 =	simm.s32 $_scs_section_size  }
0x9c: {  	s7 =	simm.s32 $_size__tile_overlayer_lowered;
	s8 =	simm.s32 $_tile_overlayer_lowered  }
0x9d: {  	s23 =	simm.s32 $0x1BFF;
	s22 =	sshll.u32 s8, $0x1;
	s5 =	sadd.s32 s6, s20  }
0x9e: {  	s9 =	simm.s32 $0x0;
	s21 =	sshll.u32 s7, $0x1;
	s7 =	sadd.s32 s22, s5  }
0x9f: {  	[timem:s9], [sflag:s23] =	dma.local [hbm:s7], s21  }
0xa0: {  	_ =	swait.ge [sflag:s23], s21  }
0xa1: {  	s6 =	ssub.s32 $0x0, s21;
	[sflag:s23] =	ssyncset.done $0x0  }
0xa2: {  	[sflag:s23] =	ssyncadd.s32 s6;
	_ =	sdelay $0x1  }
0xa3: {  	s24 =	simm.s32 $0x1B8B  }
0xa4: {  	_ =	swait.ge [sflag:s24], $0x1  }
0xa5: {  	[sflag:s24] =	ssyncset.done $0x0  }
0xa6: {  	s25 =	simm.s32 $0x1B8E;
	[sflag:s24] =	ssyncadd.s32 $0xFFFFFFFF  }
0xa7: {  	s26 =	simm.s32 $execute0_lowered;
	[smem:$0x3FD2] =	sst s25  }
0xa8: {  	s6 =	sshll.u32 s26, $0x1;
	_ =	strace $0x80000046;
	[dreg:$0x1] =	wrdreg $0xFFFFFFFF  }
0xa9: {  	s28 =	simm.s32 $_size_execute0_lowered;
	s5 =	sadd.s32 s5, s6;
	[dreg:$0x0] =	wrdreg $0x0  }
0xaa: {  	s6 =	sshll.u32 s28, $0x1;
	[dreg:$0x2] =	wrdreg s5  }
0xab: {  	[dreg:$0x3] =	wrdreg s6  }
0xac: {  	[dreg:$0x4] =	wrdreg $0xC0  }
0xad: {  	_ =	task [dreg:s9], $0x5FFFF  }
0xae: {  	[dreg:$0x1] =	wrdreg $0xFFFFFFFF  }
0xaf: {  	[dreg:$0x0] =	wrdreg $0x60  }
0xb0: {  	[dreg:$0x2] =	wrdreg s2  }
0xb1: {  	[dreg:$0x3] =	wrdreg s19  }
0xb2: {  	[dreg:$0x4] =	wrdreg s4  }
0xb3: {  	[dreg:$0x5] =	wrdreg $0x9  }
0xb4: {  	_ =	task.clear_ibuf [dreg:s9], $0x6FFFF;
	_ =	strace $0x90000046  }
0xb5: {  	s29 =	simm.s32 $0x9;
	_ =	strace $0x80000048  }
0xb6: {  	_ =	swait.ge [sflag:s29], $0x1  }
0xb7: {  	[sflag:s29] =	ssyncadd.s32 $0xFFFFFFFF  }
0xb8: {  	_ =	strace $0x90000048  }
0xb9: {  	_ =	sfence  }
0xba: {  	s30 =	sld [smem:$0x0];
	_ =	sdelay $0x2  }
0xbb: {  	s31 =	sshll.u32 s1, $0xD;
	s1 =	sshrl.u32 s1, $0x2  }
0xbc: {  	s3 =	sand.u32 $0x4000, s31;
	s1 =	sadd.s32 s1, s30  }
0xbd: {  	s0 =	sor.u32 s3, s0;
	s1 =	sshll.u32 s1, $0x11  }
0xbe: {  	s0 =	sor.u32 s1, s0  }
0xbf: {  	s0 =	sadd.s32 $0x8F2B, s0  }
0xc0: {  	[sflag:s0] =	ssyncadd.remote.s32 $0x1  }
0xc1: {  	_ =	sfence.sel $0xFFFF  }
0xc2: {  	[dreg:$0x0] =	wrdreg $0xFFFFFFFF;
	(pc) =	sbr.abs _section_cstart, $3  }
0xc3: {  	[dreg:$0x1] =	wrdreg $0xFFFFFFFF  }
0xc4: {  	_ =	task.clear_ibuf [dreg:s9], $0x2FFFF;
	_ =	strace $0x9FFFFFFF  }
0xc5: {  	(tm) =	ssettm $0x7FFFFFFF  }
tec
execute0_lowered:
.L_overlay_start_1:
0x0: {  	(tag) =	ssettag $0x1  }
0x1: {  	s1 =	srdreg.scid;
	s0 =	stileid.u32  }
0x2: {  	s2 =	rddreg [dreg:$0x0];
	s16 =	sand.u32 $0x1, s1;
	s30 =	sshll.u32 s0, $0x1  }
0x3: {  	s15 =	rddreg [dreg:$0x1];
	s14 =	sor.u32 s16, s30  }
0x4: {  	s21 =	rddreg [dreg:$0x2];
	s3 =	simm.s32 $0x0;
	s4 =	smul.u32 $0xA, s14  }
0x5: {  	s5 =	simm.s32 $0x3;
	[smem:$0x7FF] =	sst s3  }
0x6: {  	s1 =	rddreg [dreg:$0x3];
	_ =	strace $0x80000047;
	s4 =	sadd.s32 s15, s4  }
0x7: {  	[tilespmem:s3], [sflag:$0x3] =	stream.linear.gather [hbm4b:s4+s3], $0x50, $0x38;
	[tilespmem:$0x2880] =	vst v63  }
0x8: {  	_ =	swait.ge [sflag:s5], $0x50  }
0x9: {  	s6 =	simm.s32 $0x50;
	[sflag:s5] =	ssyncset.done $0x0  }
0xa: {  	s7 =	simm.s32 $0x80;
	s8 =	simm.s32 $0x1;
	[sflag:s5] =	ssyncadd.s32 $0xFFFFFFB0  }
0xb: {  	[tilespmem:s7], [sflag:$0x1] =	stream.indirect.gather [hbm4b:s2+s6], $0x80, s3, s6, $0xb8;
	[tilespmem:$0x2880] =	vst v63  }
0xc: {  	s9 =	smul.u32 $0x500, s14;
	_ =	swait.ge [sflag:s8], $0x2800  }
0xd: {  	s10 =	simm.s32 $0x2;
	[sflag:s8] =	ssyncset.done $0x0  }
0xe: {  	s12 =	sor.u32 $0x20, s14;
	s9 =	sadd.s32 s21, s9;
	[sflag:s8] =	ssyncadd.s32 $0xFFFFD800  }
0xf: {  	[hbm4b:s9+s3] =	stream.linear.scatter [tilespmem:s7], [sflag:$0x2], $0x2800, $0x38;
	[tilespmem:$0x2880] =	vst v63  }
0x10: {  	s11 =	smul.u32 $0xA, s12;
	_ =	swait.ge [sflag:s10], $0x2800  }
0x11: {  	[sflag:s10] =	ssyncset.done $0x0  }
0x12: {  	s11 =	sadd.s32 s15, s11;
	[sflag:s10] =	ssyncadd.s32 $0xFFFFD800  }
0x13: {  	[tilespmem:s3], [sflag:$0x3] =	stream.linear.gather [hbm4b:s11+s3], $0x50, $0x38;
	[tilespmem:$0x2880] =	vst v63  }
0x14: {  	_ =	swait.ge [sflag:s5], $0x50  }
0x15: {  	[sflag:s5] =	ssyncset.done $0x0  }
0x16: {  	[sflag:s5] =	ssyncadd.s32 $0xFFFFFFB0  }
0x17: {  	[tilespmem:s7], [sflag:$0x1] =	stream.indirect.gather [hbm4b:s2+s6], $0x80, s3, s6, $0xb8;
	[tilespmem:$0x2880] =	vst v63  }
0x18: {  	s12 =	smul.u32 $0x500, s12;
	_ =	swait.ge [sflag:s8], $0x2800  }
0x19: {  	[sflag:s8] =	ssyncset.done $0x0  }
0x1a: {  	s17 =	sor.u32 $0x40, s14;
	s12 =	sadd.s32 s21, s12;
	[sflag:s8] =	ssyncadd.s32 $0xFFFFD800  }
0x1b: {  	[hbm4b:s12+s3] =	stream.linear.scatter [tilespmem:s7], [sflag:$0x2], $0x2800, $0x38;
	[tilespmem:$0x2880] =	vst v63  }
0x1c: {  	s13 =	smul.u32 $0xA, s17;
	_ =	swait.ge [sflag:s10], $0x2800  }
0x1d: {  	[sflag:s10] =	ssyncset.done $0x0  }
0x1e: {  	s13 =	sadd.s32 s15, s13;
	[sflag:s10] =	ssyncadd.s32 $0xFFFFD800  }
0x1f: {  	[tilespmem:s3], [sflag:$0x3] =	stream.linear.gather [hbm4b:s13+s3], $0x50, $0x38;
	[tilespmem:$0x2880] =	vst v63  }
0x20: {  	_ =	swait.ge [sflag:s5], $0x50  }
0x21: {  	[sflag:s5] =	ssyncset.done $0x0  }
0x22: {  	[sflag:s5] =	ssyncadd.s32 $0xFFFFFFB0  }
0x23: {  	[tilespmem:s7], [sflag:$0x1] =	stream.indirect.gather [hbm4b:s2+s6], $0x80, s3, s6, $0xb8;
	[tilespmem:$0x2880] =	vst v63  }
0x24: {  	s17 =	smul.u32 $0x500, s17;
	_ =	swait.ge [sflag:s8], $0x2800  }
0x25: {  	s22 =	ssub.s32 $0x2, s16;
	s18 =	sor.u32 $0x60, s14;
	[sflag:s8] =	ssyncset.done $0x0  }
0x26: {  	s23 =	sshrl.u32 s22, $0x1;
	s14 =	sadd.s32 s21, s17;
	[sflag:s8] =	ssyncadd.s32 $0xFFFFD800  }
0x27: {  	[hbm4b:s14+s3] =	stream.linear.scatter [tilespmem:s7], [sflag:$0x2], $0x2800, $0x38;
	[tilespmem:$0x2880] =	vst v63  }
0x28: {  	s31 =	smul.u32 $0xA, s18;
	p0 =	sgt.u32 s18, $0x7C;
	_ =	swait.ge [sflag:s10], $0x2800  }
0x29: {  	s24 =	smul.u32 $0x500, s18;
	s16 =	simm.s32 @!p0 $0x0;
	[sflag:s10] =	ssyncset.done $0x0  }
0x2a: {  	s15 =	sadd.s32 s15, s31;
	s17 =	simm.s32 @!p0 $0x3;
	[sflag:s10] =	ssyncadd.s32 $0xFFFFD800  }
0x2b: {  	[tilespmem:s16], [sflag:$0x3] =	stream.linear.gather @!p0 [hbm4b:s15+s16], $0x50, $0x38;
	[tilespmem:$0x2880] =	vst v63  }
0x2c: {  	s22 =	ssub.s32 s22, s23;
	s18 =	simm.s32 @!p0 $0x1;
	_ =	swait.ge @!p0 [sflag:s17], $0x50  }
0x2d: {  	s19 =	simm.s32 @!p0 $0x50;
	s23 =	smax.u32 s22, $0x1;
	[sflag:s17] =	ssyncset.done @!p0 $0x0  }
0x2e: {  	s20 =	simm.s32 @!p0 $0x80;
	s23 =	sadd.s32 $0xFFFFFFFF, s23;
	[sflag:s17] =	ssyncadd.s32 @!p0 $0xFFFFFFB0  }
0x2f: {  	[tilespmem:s20], [sflag:$0x1] =	stream.indirect.gather @!p0 [hbm4b:s2+s19], $0x80, s16, s19, $0xb8;
	[tilespmem:$0x2880] =	vst v63  }
0x30: {  	p1 =	sne.s32 s23, $0x0;
	_ =	swait.ge @!p0 [sflag:s18], $0x2800  }
.Ltmp0:
0x31: {  	[sflag:s18] =	ssyncset.done @!p0 $0x0;
	(pc) =	sbr.rel @!p1 .LBB2_2-.Ltmp0, $4  }
0x32: {  	s22 =	sadd.s32 s21, s24;
	s21 =	simm.s32 @!p0 $0x2;
	[sflag:s18] =	ssyncadd.s32 @!p0 $0xFFFFD800  }
0x33: {  	[hbm4b:s22+s16] =	stream.linear.scatter @!p0 [tilespmem:s20], [sflag:$0x2], $0x2800, $0x38;
	[tilespmem:$0x2880] =	vst v63  }
0x34: {  	_ =	swait.ge @!p0 [sflag:s21], $0x2800  }
0x35: {  	[sflag:s21] =	ssyncset.done @!p0 $0x0  }
.LBB2_1:
0x36: {  	s23 =	sadd.s32 $0xFFFFFFFF, s23;
	[sflag:s21] =	ssyncadd.s32 @!p0 $0xFFFFD800  }
0x37: {  	[tilespmem:s3], [sflag:$0x3] =	stream.linear.gather [hbm4b:s4+s3], $0x50, $0x38;
	[tilespmem:$0x2880] =	vst v63  }
0x38: {  	p1 =	sne.s32 s23, $0x0;
	_ =	swait.ge [sflag:s5], $0x50  }
0x39: {  	[sflag:s5] =	ssyncset.done $0x0  }
0x3a: {  	[sflag:s5] =	ssyncadd.s32 $0xFFFFFFB0  }
0x3b: {  	[tilespmem:s7], [sflag:$0x1] =	stream.indirect.gather [hbm4b:s2+s6], $0x80, s3, s6, $0xb8;
	[tilespmem:$0x2880] =	vst v63  }
0x3c: {  	_ =	swait.ge [sflag:s8], $0x2800  }
0x3d: {  	[sflag:s8] =	ssyncset.done $0x0  }
0x3e: {  	[sflag:s8] =	ssyncadd.s32 $0xFFFFD800  }
0x3f: {  	[hbm4b:s9+s3] =	stream.linear.scatter [tilespmem:s7], [sflag:$0x2], $0x2800, $0x38;
	[tilespmem:$0x2880] =	vst v63  }
0x40: {  	_ =	swait.ge [sflag:s10], $0x2800  }
0x41: {  	[sflag:s10] =	ssyncset.done $0x0  }
0x42: {  	[sflag:s10] =	ssyncadd.s32 $0xFFFFD800  }
0x43: {  	[tilespmem:s3], [sflag:$0x3] =	stream.linear.gather [hbm4b:s11+s3], $0x50, $0x38;
	[tilespmem:$0x2880] =	vst v63  }
0x44: {  	_ =	swait.ge [sflag:s5], $0x50  }
0x45: {  	[sflag:s5] =	ssyncset.done $0x0  }
0x46: {  	[sflag:s5] =	ssyncadd.s32 $0xFFFFFFB0  }
0x47: {  	[tilespmem:s7], [sflag:$0x1] =	stream.indirect.gather [hbm4b:s2+s6], $0x80, s3, s6, $0xb8;
	[tilespmem:$0x2880] =	vst v63  }
0x48: {  	_ =	swait.ge [sflag:s8], $0x2800  }
0x49: {  	[sflag:s8] =	ssyncset.done $0x0  }
0x4a: {  	[sflag:s8] =	ssyncadd.s32 $0xFFFFD800  }
0x4b: {  	[hbm4b:s12+s3] =	stream.linear.scatter [tilespmem:s7], [sflag:$0x2], $0x2800, $0x38;
	[tilespmem:$0x2880] =	vst v63  }
0x4c: {  	_ =	swait.ge [sflag:s10], $0x2800  }
0x4d: {  	[sflag:s10] =	ssyncset.done $0x0  }
0x4e: {  	[sflag:s10] =	ssyncadd.s32 $0xFFFFD800  }
0x4f: {  	[tilespmem:s3], [sflag:$0x3] =	stream.linear.gather [hbm4b:s13+s3], $0x50, $0x38;
	[tilespmem:$0x2880] =	vst v63  }
0x50: {  	_ =	swait.ge [sflag:s5], $0x50  }
0x51: {  	[sflag:s5] =	ssyncset.done $0x0  }
0x52: {  	[sflag:s5] =	ssyncadd.s32 $0xFFFFFFB0  }
0x53: {  	[tilespmem:s7], [sflag:$0x1] =	stream.indirect.gather [hbm4b:s2+s6], $0x80, s3, s6, $0xb8;
	[tilespmem:$0x2880] =	vst v63  }
0x54: {  	_ =	swait.ge [sflag:s8], $0x2800  }
0x55: {  	[sflag:s8] =	ssyncset.done $0x0  }
0x56: {  	[sflag:s8] =	ssyncadd.s32 $0xFFFFD800  }
0x57: {  	[hbm4b:s14+s3] =	stream.linear.scatter [tilespmem:s7], [sflag:$0x2], $0x2800, $0x38;
	[tilespmem:$0x2880] =	vst v63  }
0x58: {  	_ =	swait.ge [sflag:s10], $0x2800  }
0x59: {  	[sflag:s10] =	ssyncset.done $0x0  }
0x5a: {  	[sflag:s10] =	ssyncadd.s32 $0xFFFFD800  }
0x5b: {  	[tilespmem:s16], [sflag:$0x3] =	stream.linear.gather @!p0 [hbm4b:s15+s16], $0x50, $0x38;
	[tilespmem:$0x2880] =	vst v63  }
0x5c: {  	_ =	swait.ge @!p0 [sflag:s17], $0x50  }
0x5d: {  	[sflag:s17] =	ssyncset.done @!p0 $0x0  }
0x5e: {  	[sflag:s17] =	ssyncadd.s32 @!p0 $0xFFFFFFB0  }
0x5f: {  	[tilespmem:s20], [sflag:$0x1] =	stream.indirect.gather @!p0 [hbm4b:s2+s19], $0x80, s16, s19, $0xb8;
	[tilespmem:$0x2880] =	vst v63  }
0x60: {  	_ =	swait.ge @!p0 [sflag:s18], $0x2800  }
.Ltmp1:
0x61: {  	[sflag:s18] =	ssyncset.done @!p0 $0x0;
	(pc) =	sbr.rel @p1 .LBB2_1-.Ltmp1, $4  }
0x62: {  	[sflag:s18] =	ssyncadd.s32 @!p0 $0xFFFFD800  }
0x63: {  	[hbm4b:s22+s16] =	stream.linear.scatter @!p0 [tilespmem:s20], [sflag:$0x2], $0x2800, $0x38;
	[tilespmem:$0x2880] =	vst v63  }
0x64: {  	_ =	swait.ge @!p0 [sflag:s21], $0x2800  }
0x65: {  	[sflag:s21] =	ssyncset.done @!p0 $0x0  }
.LBB2_2:
0x66: {  	[sflag:s21] =	ssyncadd.s32 @!p0 $0xFFFFD800  }
0x67: {  	_ =	sfence.sel $0x180000  }
0x68: {  	[bflag:$0x0] =	sbarrier.arrive $0xFFFF  }
0x69: {  	p0 =	sne.s32 s0, $0x0;
	_ =	strace $0x90000047  }
0x6a: {  	s0 =	sadd.s32 @!p0 $0x100000, s1;
	[bflag:$0x2] =	sbarrier.arrive $0xFFFF  }
0x6b: {  	[sflag:s0] =	ssyncadd.tile.s32 @!p0 $0x1;
	_ =	shalt  }
.Lfunc_end2:
_tile_overlayer_lowered:
.L_overlay_start_2:
0x6c: {  	(tag) =	ssettag $0x2  }
0x6d: {  	s0 =	rddreg [dreg:$0x0];
	s2 =	stileid.u32  }
0x6e: {  	s1 =	rddreg [dreg:$0x1];
	p0 =	sne.s32 s2, $0x0  }
0x6f: {  	s3 =	rddreg [dreg:$0x2];
	[bflag:$0x3] =	sbarrier.arrive $0xFFFF;
	s2 =	simm.s32 @!p0 $0x1C02  }
0x70: {  	[timem:s3], [sflag:s2] =	dma.local @!p0 [hbm:s0], s1  }
0x71: {  	s0 =	simm.s32 @!p0 $0x2  }
0x72: {  	_ =	swait.ge @!p0 [sflag:s0], s1  }
0x73: {  	s1 =	ssub.s32 @!p0 $0x0, s1;
	[sflag:s0] =	ssyncset.done @!p0 $0x0  }
0x74: {  	[sflag:s0] =	ssyncadd.s32 @!p0 s1  }
0x75: {  	[bflag:$0x3] =	sbarrier.arrive $0xFFFF  }
0x76: {  	_ =	shalt  }

// kernel: kernel.9.cloned.1.call-start
scs
__scs_entry_jumppad:
0x0: {  	(pc) =	sbr.rel $0x88, $3  }
0x1: {  	(tag) =	ssettag $0x0;
	lr =	simm.s32 $0x1  }
0x2: {  	[smem:$0x3F98] =	sst lr;
	_ =	strace $0xD0000000  }
0x3: {  	_ = 	snop  }
0x4: {  	_ = 	snop  }
0x5: {  	_ = 	snop  }
0x6: {  	_ = 	snop  }
0x7: {  	_ = 	snop  }
__scs_overlays_trampoline_lowered:
0x8: {  	[smem:$0x3FA7] =	sst s0  }
0x9: {  	[smem:$0x3FA8] =	sst s1  }
0xa: {  	[smem:$0x3FA9] =	sst s2  }
0xb: {  	[smem:$0x3FAA] =	sst s3  }
0xc: {  	[smem:$0x3FAB] =	sst s4  }
0xd: {  	[smem:$0x3FAC] =	sst s5  }
0xe: {  	[smem:$0x3FAD] =	sst s6  }
0xf: {  	[smem:$0x3FAE] =	sst s7  }
0x10: {  	[smem:$0x3FAF] =	sst s8  }
0x11: {  	[smem:$0x3FB0] =	sst s9;
	s0 =	simm.s32 @!p0 $0x0  }
0x12: {  	s1 =	sld [smem:$0x3F96];
	s0 =	simm.s32 @p0 $0x1  }
0x13: {  	[smem:$0x3FB1] =	sst s0;
	s0 =	simm.s32 @!p1 $0x0  }
0x14: {  	s2 =	sld [smem:$0x3F95];
	s0 =	simm.s32 @p1 $0x1  }
0x15: {  	[smem:$0x3FB2] =	sst s0;
	s0 =	simm.s32 @!p2 $0x0  }
0x16: {  	s3 =	sld [smem:$0x3FDB];
	s0 =	simm.s32 @p2 $0x1  }
0x17: {  	s4 =	simm.s32 $0x1BF5;
	[smem:$0x3FB4] =	sst s0  }
0x18: {  	s0 =	sld [smem:$0x3F97];
	_ =	swait.ge [sflag:s4], $0x0  }
0x19: {  	s7 =	sld [smem:$0x3F98]  }
0x1a: {  	s8 =	sadd.s32 $0xFFFFE003, lr  }
0x1b: {  	s9 =	sadd.s32 $0xFFFFFEF7, lr;
	s5 =	simm.s32 $0xFFFFFFFF;
	p2 =	slt.u32 s8, $0xFFFFF086  }
0x1c: {  	p1 =	slt.u32 s9, $0xF7A;
	s5 =	simm.s32 @!p2 $0x0  }
0x1d: {  	s5 =	simm.s32 @p1 $0x1;
	p0 =	seq.s32 s7, s2  }
0x1e: {  	s7 =	smul.u32 @!p0 $0xF7A, s2;
	p2 =	seq.s32 @!p0 s5, $0x0  }
0x1f: {  	s9 =	smul.u32 $0xF7A, s1;
	s8 =	simm.s32 @!p0 $0x1BF5;
	p2 =	por !p2, p0  }
0x20: {  	[sflag:s8] =	ssyncset.s32 @!p0 $0xFFFFF086;
	s6 =	sadd.s32 @!p0 s3, s7;
	s7 =	simm.s32 @!p0 $0x108  }
0x21: {  	s3 =	sadd.s32 s3, s9;
	s6 =	sadd.s32 @!p0 $0x88, s6;
	s7 =	simm.s32 @p2 $0x1082  }
0x22: {  	[simem:s7], [sflag:s8] =	dma.local @!p0 [hbm:s6], $0xF7A  }
0x23: {  	s9 =	sor.u32 $0xD0000000, s2;
	s6 =	simm.s32 $0x108;
	_ =	swait.ge @!p0 [sflag:s8], $0x0  }
0x24: {  	s3 =	sadd.s32 $0x88, s3;
	s6 =	simm.s32 @!p1 $0x1082;
	[sflag:s4] =	ssyncset.s32 $0xFFFFF086  }
0x25: {  	[simem:s6], [sflag:s4] =	dma.local [hbm:s3], $0xF7A  }
0x26: {  	[smem:$0x3F98] =	sst s1;
	(tag) =	ssettag s2;
	_ =	strace s9  }
0x27: {  	s1 =	sld [smem:$0x3FA8]  }
0x28: {  	s2 =	sld [smem:$0x3FA9]  }
0x29: {  	s4 =	sld [smem:$0x3FAB]  }
0x2a: {  	p0 =	seq.s32 s5, $0x0;
	s5 =	sld [smem:$0x3FAC]  }
0x2b: {  	s6 =	sld [smem:$0x3FAD]  }
0x2c: {  	s7 =	sld [smem:$0x3FAE]  }
0x2d: {  	s3 =	simm.s32 $0x108;
	s8 =	sld [smem:$0x3FAF]  }
0x2e: {  	s3 =	simm.s32 @!p0 $0x1082;
	s9 =	sld [smem:$0x3FB0]  }
0x2f: {  	lr =	sadd.s32 s0, s3;
	s0 =	sld [smem:$0x3FA7]  }
0x30: {  	s3 =	sld [smem:$0x3FAA]  }
0x31: {  	[smem:$0x3FB3] =	sst s10  }
0x32: {  	s10 =	sld [smem:$0x3FB1];
	_ =	sdelay $0x3  }
0x33: {  	p0 =	seq.s32 s10, $0x1;
	s10 =	sld [smem:$0x3FB3];
	_ =	sdelay $0x3  }
0x34: {  	[smem:$0x3FB3] =	sst s10  }
0x35: {  	s10 =	sld [smem:$0x3FB2];
	_ =	sdelay $0x3  }
0x36: {  	p1 =	seq.s32 s10, $0x1;
	s10 =	sld [smem:$0x3FB3];
	_ =	sdelay $0x3  }
0x37: {  	[smem:$0x3FB3] =	sst s10  }
0x38: {  	s10 =	sld [smem:$0x3FB4]  }
0x39: {  	_ = 	snop;
	(pc) =	sbr.ind lr, $3  }
0x3a: {  	_ = 	snop  }
0x3b: {  	_ = 	snop  }
0x3c: {  	p2 =	seq.s32 s10, $0x1;
	s10 =	sld [smem:$0x3FB3]  }
0x3d: {  	_ =	shalt  }
0x3e: {  	_ =	shalt  }
0x3f: {  	_ =	shalt  }
0x40: {  	_ =	shalt  }
0x41: {  	_ =	shalt  }
0x42: {  	_ =	shalt  }
0x43: {  	_ =	shalt  }
0x44: {  	_ =	shalt  }
0x45: {  	_ =	shalt  }
0x46: {  	_ =	shalt  }
0x47: {  	_ =	shalt  }
0x48: {  	_ =	shalt  }
0x49: {  	_ =	shalt  }
0x4a: {  	_ =	shalt  }
0x4b: {  	_ =	shalt  }
0x4c: {  	_ =	shalt  }
0x4d: {  	_ =	shalt  }
0x4e: {  	_ =	shalt  }
0x4f: {  	_ =	shalt  }
0x50: {  	_ =	shalt  }
0x51: {  	_ =	shalt  }
0x52: {  	_ =	shalt  }
0x53: {  	_ =	shalt  }
0x54: {  	_ =	shalt  }
0x55: {  	_ =	shalt  }
0x56: {  	_ =	shalt  }
0x57: {  	_ =	shalt  }
0x58: {  	_ =	shalt  }
0x59: {  	_ =	shalt  }
0x5a: {  	_ =	shalt  }
0x5b: {  	_ =	shalt  }
0x5c: {  	_ =	shalt  }
0x5d: {  	_ =	shalt  }
0x5e: {  	_ =	shalt  }
0x5f: {  	_ =	shalt  }
0x60: {  	_ =	shalt  }
0x61: {  	_ =	shalt  }
0x62: {  	_ =	shalt  }
0x63: {  	_ =	shalt  }
0x64: {  	_ =	shalt  }
0x65: {  	_ =	shalt  }
0x66: {  	_ =	shalt  }
0x67: {  	_ =	shalt  }
0x68: {  	_ =	shalt  }
0x69: {  	_ =	shalt  }
0x6a: {  	_ =	shalt  }
0x6b: {  	_ =	shalt  }
0x6c: {  	_ =	shalt  }
0x6d: {  	_ =	shalt  }
0x6e: {  	_ =	shalt  }
0x6f: {  	_ =	shalt  }
0x70: {  	_ =	shalt  }
0x71: {  	_ =	shalt  }
0x72: {  	_ =	shalt  }
0x73: {  	_ =	shalt  }
0x74: {  	_ =	shalt  }
0x75: {  	_ =	shalt  }
0x76: {  	_ =	shalt  }
0x77: {  	_ =	shalt  }
0x78: {  	_ =	shalt  }
0x79: {  	_ =	shalt  }
0x7a: {  	_ =	shalt  }
0x7b: {  	_ =	shalt  }
0x7c: {  	_ =	shalt  }
0x7d: {  	_ =	shalt  }
0x7e: {  	_ =	shalt  }
0x7f: {  	_ =	shalt  }
0x80: {  	_ =	shalt  }
0x81: {  	_ =	shalt  }
0x82: {  	_ =	shalt  }
0x83: {  	_ =	shalt  }
0x84: {  	_ =	shalt  }
0x85: {  	_ =	shalt  }
0x86: {  	_ =	shalt  }
0x87: {  	_ =	shalt  }
.Lfunc_end0:
.L_simem_size_0:
called_computation.1_lowered:
.L_overlay_start_0:
0x88: {  	s2 =	sld [smem:$0x3FD9]  }
0x89: {  	s3 =	sld [smem:$0x3FFE];
	_ =	sdelay $0x1  }
0x8a: {  	s1 =	srdreg.scid  }
0x8b: {  	s0 =	sand.u32 $0x1, s1  }
0x8c: {  	s17 =	sshll.u32 s0, $0xA;
	s2 =	sadd.s32 s3, s2  }
0x8d: {  	s2 =	sadd.s32 s2, s17  }
0x8e: {  	[smem:$0x3FBF] =	sst s2  }
0x8f: {  	_ = 	snop  }
0x90: {  	s2 =	sld [smem:$0x3FD0];
	(tm) =	ssettm $0x1  }
0x91: {  	s18 =	sld [smem:$0x3FFB];
	_ =	sdelay $0x3  }
0x92: {  	_ =	strace s18  }
0x93: {  	s3 =	sld [smem:$0x3FFC];
	_ =	sdelay $0x3  }
0x94: {  	_ =	strace s3  }
0x95: {  	s3 =	sld [smem:$0x3FFD];
	_ =	sdelay $0x3  }
0x96: {  	_ =	strace s3  }
0x97: {  	_ =	strace $0x8FFFFFFF  }
0x98: {  	s19 =	sld [smem:$0x3FDB];
	_ =	sdelay $0x1  }
0x99: {  	s4 =	simm.s32 $_scs_section_size  }
0x9a: {  	s5 =	simm.s32 $_size__tile_overlayer_lowered;
	s6 =	simm.s32 $_tile_overlayer_lowered  }
0x9b: {  	s22 =	simm.s32 $0x1BFF;
	s21 =	sshll.u32 s6, $0x1;
	s3 =	sadd.s32 s4, s19  }
0x9c: {  	s7 =	simm.s32 $0x0;
	s20 =	sshll.u32 s5, $0x1;
	s5 =	sadd.s32 s21, s3  }
0x9d: {  	[timem:s7], [sflag:s22] =	dma.local [hbm:s5], s20  }
0x9e: {  	_ =	swait.ge [sflag:s22], s20  }
0x9f: {  	s4 =	ssub.s32 $0x0, s20;
	[sflag:s22] =	ssyncset.done $0x0  }
0xa0: {  	[sflag:s22] =	ssyncadd.s32 s4;
	_ =	sdelay $0x1  }
0xa1: {  	s23 =	simm.s32 $0x1B8B  }
0xa2: {  	_ =	swait.ge [sflag:s23], $0x1  }
0xa3: {  	[sflag:s23] =	ssyncset.done $0x0  }
0xa4: {  	s25 =	simm.s32 $0x1B8E;
	s24 =	sld [smem:$0x3FFE];
	[sflag:s23] =	ssyncadd.s32 $0xFFFFFFFF  }
0xa5: {  	s26 =	simm.s32 $execute0_lowered;
	[smem:$0x3FD2] =	sst s25  }
0xa6: {  	s5 =	sshll.u32 s26, $0x1;
	_ =	strace $0x80000049;
	[dreg:$0x1] =	wrdreg $0xFFFFFFFF  }
0xa7: {  	s28 =	simm.s32 $_size_execute0_lowered;
	s3 =	sadd.s32 s3, s5;
	[dreg:$0x0] =	wrdreg $0x0  }
0xa8: {  	s5 =	sshll.u32 s28, $0x1;
	[dreg:$0x2] =	wrdreg s3  }
0xa9: {  	[dreg:$0x3] =	wrdreg s5  }
0xaa: {  	[dreg:$0x4] =	wrdreg $0xC0  }
0xab: {  	_ =	task [dreg:s7], $0x5FFFF  }
0xac: {  	[dreg:$0x1] =	wrdreg $0xFFFFFFFF  }
0xad: {  	[dreg:$0x0] =	wrdreg $0x60  }
0xae: {  	[dreg:$0x2] =	wrdreg s2  }
0xaf: {  	[dreg:$0x3] =	wrdreg s24  }
0xb0: {  	[dreg:$0x4] =	wrdreg $0x5D000  }
0xb1: {  	[dreg:$0x5] =	wrdreg $0x195800  }
0xb2: {  	[dreg:$0x6] =	wrdreg $0x9  }
0xb3: {  	_ =	task.clear_ibuf [dreg:s7], $0x7FFFF;
	_ =	strace $0x90000049  }
0xb4: {  	s29 =	simm.s32 $0x9;
	_ =	strace $0x8000004B  }
0xb5: {  	_ =	swait.ge [sflag:s29], $0x1  }
0xb6: {  	[sflag:s29] =	ssyncadd.s32 $0xFFFFFFFF  }
0xb7: {  	_ =	strace $0x9000004B  }
0xb8: {  	_ =	sfence  }
0xb9: {  	s30 =	sld [smem:$0x0];
	_ =	sdelay $0x2  }
0xba: {  	s31 =	sshll.u32 s1, $0xD;
	s1 =	sshrl.u32 s1, $0x2  }
0xbb: {  	s3 =	sand.u32 $0x4000, s31;
	s1 =	sadd.s32 s1, s30  }
0xbc: {  	s0 =	sor.u32 s3, s0;
	s1 =	sshll.u32 s1, $0x11  }
0xbd: {  	s0 =	sor.u32 s1, s0  }
0xbe: {  	s0 =	sadd.s32 $0x8F2B, s0  }
0xbf: {  	[sflag:s0] =	ssyncadd.remote.s32 $0x1  }
0xc0: {  	_ =	sfence.sel $0xFFFF  }
0xc1: {  	[dreg:$0x0] =	wrdreg $0xFFFFFFFF;
	(pc) =	sbr.abs _section_cstart, $3  }
0xc2: {  	[dreg:$0x1] =	wrdreg $0xFFFFFFFF  }
0xc3: {  	_ =	task.clear_ibuf [dreg:s7], $0x2FFFF;
	_ =	strace $0x9FFFFFFF  }
0xc4: {  	(tm) =	ssettm $0x7FFFFFFF  }
0xc5: {  	_ =	shalt  }
tec
execute0_lowered:
.L_overlay_start_1:
0x0: {  	(tag) =	ssettag $0x1  }
0x1: {  	s1 =	rddreg [dreg:$0x0]  }
0x2: {  	s0 =	rddreg [dreg:$0x1]  }
0x3: {  	s2 =	rddreg [dreg:$0x2];
	s4 =	srdreg.scid  }
0x4: {  	s3 =	rddreg [dreg:$0x3];
	s5 =	sand.u32 $0x1, s4  }
0x5: {  	s4 =	stileid.u32;
	s7 =	smul.u32 $0x138800, s5  }
0x6: {  	s6 =	simm.s32 $0x0;
	s31 =	simm.s32 $0x9;
	s8 =	smul.u32 $0x1400, s4  }
0x7: {  	s28 =	simm.s32 $0x1;
	s29 =	simm.s32 $0x6;
	s9 =	smul.u32 $0x27100, s5  }
0x8: {  	[smem:$0x7FF] =	sst s6;
	s6 =	sadd.s32 $0x15800, s0;
	s10 =	smul.u32 $0x280, s4  }
0x9: {  	s11 =	sadd.s32 $0x29200, s0;
	_ =	strace $0x8000004A;
	s17 =	smul.u32 $0x5000, s4  }
0xa: {  	[dreg:$0x5] =	wrdreg s11;
	s16 =	ssub.s32 $0x2, s5;
	s13 =	smul.u32 $0x4E20, s4  }
0xb: {  	s15 =	sshll.u32 s4, $0x1;
	s20 =	smul.u32 $0xA00, s4;
	s12 =	sshrl.u32 s16, $0x1  }
0xc: {  	s8 =	sadd.s32 s8, s7;
	s7 =	sadd.s32 $0x1E00, s0;
	s9 =	sadd.s32 s10, s9  }
0xd: {  	s10 =	sor.u32 s5, s15;
	s11 =	ssub.s32 s16, s12;
	s5 =	smul.u32 $0x2710, s5  }
0xe: {  	s22 =	sshrl.u32 s20, $0x2;
	s8 =	sshrl.u32 s8, $0x3;
	s9 =	sshrl.u32 s9, $0x3  }
0xf: {  	s10 =	smul.u32 $0x2710, s10;
	s21 =	smax.u32 s11, $0x1;
	s20 =	sadd.s32 s22, s3  }
0x10: {  	s22 =	simm.s32 $0x1600;
	s11 =	simm.s32 $0xF0;
	s8 =	sadd.s32 s8, s0  }
0x11: {  	s9 =	sadd.s32 s9, s0;
	s0 =	sadd.s32 $0x29210, s0;
	[dreg:$0xb] =	wrdreg s21  }
0x12: {  	s5 =	sadd.s32 s5, s13;
	s21 =	simm.s32 $0x8;
	[dreg:$0xd] =	wrdreg s20  }
0x13: {  	[dreg:$0x6] =	wrdreg s0;
	s18 =	sshrl.u32 s10, $0x3;
	s10 =	sadd.s32 $0x28, s10  }
0x14: {  	s0 =	sshrl.u32 s17, $0x2;
	s23 =	sadd.s32 $0x78, s5;
	s25 =	sadd.s32 $0x50, s5  }
0x15: {  	s26 =	sadd.s32 $0x33200, s8;
	s30 =	sadd.s32 $0x29400, s9;
	s5 =	simm.s32 $0x3E00  }
0x16: {  	s8 =	simm.s32 $0xC8;
	s9 =	simm.s32 $0xA0;
	[dreg:$0xe] =	wrdreg s25  }
0x17: {  	s14 =	sadd.s32 s6, s18;
	s10 =	sshrl.u32 s10, $0x3;
	[dreg:$0xf] =	wrdreg s26  }
0x18: {  	s12 =	sadd.s32 s7, s18;
	s13 =	sadd.s32 s0, s2;
	[dreg:$0x10] =	wrdreg s30  }
0x19: {  	s24 =	sshrl.u32 s23, $0x3;
	s25 =	simm.s32 $0x28;
	[dreg:$0x7] =	wrdreg s14  }
0x1a: {  	s26 =	simm.s32 $0x7;
	[dreg:$0x8] =	wrdreg s12;
	s19 =	sadd.s32 s6, s10  }
0x1b: {  	s10 =	sadd.s32 s7, s10;
	s17 =	sadd.s32 s24, s7;
	[dreg:$0xc] =	wrdreg s13  }
0x1c: {  	s18 =	sadd.s32 s24, s6;
	s14 =	simm.s32 $0x2;
	[dreg:$0x9] =	wrdreg s19  }
0x1d: {  	v0 =	vimm.f32 $0.0e+00;
	[dreg:$0xa] =	wrdreg s10;
	s19 =	simm.s32 $0x118;
	s10 =	simm.s32 $0x0  }
.LBB2_1:
0x1e: {  	[dreg:$0x11] =	wrdreg s10  }
0x1f: {  	s0 =	simm.s32 $0x0;
	s23 =	rddreg [dreg:$0x5];
	s12 =	simm.s32 $0x5C00  }
0x20: {  	[tilespmem:s12], [sflag:$0x9] =	stream.linear.gather [hbm4b:s23+s0], $0x80, $0x38;
	[tilespmem:$0x1BC90] =	vst v63  }
0x21: {  	_ =	swait.ge [sflag:s31], $0x80  }
0x22: {  	[sflag:s31] =	ssyncset.done $0x0  }
0x23: {  	s30 =	simm.s32 $0x5C80;
	s24 =	rddreg [dreg:$0x6];
	[sflag:s31] =	ssyncadd.s32 $0xFFFFFF80  }
0x24: {  	[tilespmem:s30], [sflag:$0x9] =	stream.linear.gather [hbm4b:s24+s0], $0x80, $0x38;
	[tilespmem:$0x1BC90] =	vst v63  }
0x25: {  	_ =	swait.ge [sflag:s31], $0x80  }
0x26: {  	[sflag:s31] =	ssyncset.done $0x0  }
0x27: {  	s10 =	simm.s32 $0x240;
	[sflag:s31] =	ssyncadd.s32 $0xFFFFFF80  }
0x28: {  	[tilespmem:s10+$0xFFFFFFD0] =	vst v0  }
0x29: {  	[tilespmem:s10+$0xFFFFFFE0] =	vst v0  }
0x2a: {  	[tilespmem:s10+$0xFFFFFFF0] =	vst v0  }
0x2b: {  	[tilespmem:s10+$0x0] =	vst v0  }
0x2c: {  	[tilespmem:s10+$0x10] =	vst v0  }
0x2d: {  	[tilespmem:s10+$0x20] =	vst v0  }
0x2e: {  	[tilespmem:s10+$0x30] =	vst v0  }
0x2f: {  	s15 =	simm.s32 $0x40;
	s12 =	simm.s32 $0x0;
	[tilespmem:s10+$0xFFFFFFC0] =	vst v0  }
.LBB2_2:
0x30: {  	p0 =	sne.s32 s15, $0x9C0;
	[tilespmem:s12+$0x5200] =	vst v0;
	s10 =	sadd.s32 $0x80, s10  }
0x31: {  	[tilespmem:s10+$0xFFFFFFD0] =	vst v0  }
0x32: {  	[tilespmem:s10+$0xFFFFFFE0] =	vst v0  }
0x33: {  	[tilespmem:s10+$0xFFFFFFF0] =	vst v0  }
.Ltmp0:
0x34: {  	[tilespmem:s10+$0x0] =	vst v0;
	(pc) =	sbr.rel @p0 .LBB2_2-.Ltmp0, $4  }
0x35: {  	[tilespmem:s10+$0x10] =	vst v0  }
0x36: {  	[tilespmem:s10+$0x20] =	vst v0  }
0x37: {  	[tilespmem:s10+$0x30] =	vst v0  }
0x38: {  	s12 =	sshra.s32 s15, $0x2;
	s15 =	sadd.s32 $0x40, s15;
	[tilespmem:s10+$0xFFFFFFC0] =	vst v0  }
0x39: {  	s10 =	sadd.s32 $0x0, s4  }
0x3a: {  	p0 =	sgt.u32 s10, $0xF9  }
0x3b: {  	[tilespmem:s12+$0x5200] =	vst v0;
	s10 =	simm.s32 @!p0 $0x200;
	s12 =	simm.s32 @!p0 $0xA;
	p0 =	por p0, p0  }
0x3c: {  	[spmem:s13] =	stream.linear.scatter @!p0 [tilespmem:s10], [sflag:$0xA], $0x1400, $0x38;
	[tilespmem:$0x1BC90] =	vst v63  }
0x3d: {  	_ =	swait.ge @!p0 [sflag:s12], $0x1400  }
0x3e: {  	s15 =	simm.s32 $0x20;
	[sflag:s12] =	ssyncset.done @!p0 $0x0  }
0x3f: {  	s10 =	simm.s32 @!p0 $0x5200;
	s23 =	simm.s32 @!p0 $0x9;
	[sflag:s12] =	ssyncadd.s32 @!p0 $0xFFFFEC00  }
0x40: {  	[spmem:s20] =	stream.linear.scatter @!p0 [tilespmem:s10], [sflag:$0x9], $0x280, $0x38;
	[tilespmem:$0x1BC90] =	vst v63  }
0x41: {  	s30 =	sadd.s32 $0x10, s4;
	s16 =	sadd.s32 $0x14000, s13;
	_ =	swait.ge @!p0 [sflag:s23], $0x280  }
0x42: {  	p1 =	sgt.u32 s30, $0xF9;
	s10 =	sadd.s32 $0x2800, s20;
	[sflag:s23] =	ssyncset.done @!p0 $0x0  }
.LBB2_4:
0x43: {  	s12 =	simm.s32 @!p1 $0x200;
	s24 =	simm.s32 @!p1 $0xA;
	[sflag:s23] =	ssyncadd.s32 @!p0 $0xFFFFFD80  }
0x44: {  	s30 =	smov.u32 s15;
	p0 =	por p1, p1;
	s15 =	sadd.s32 $0x10, s15  }
0x45: {  	[spmem:s16] =	stream.linear.scatter @!p0 [tilespmem:s12], [sflag:$0xA], $0x1400, $0x38;
	[tilespmem:$0x1BC90] =	vst v63  }
0x46: {  	p2 =	sne.s32 s15, $0x100;
	_ =	swait.ge @!p0 [sflag:s24], $0x1400  }
.Ltmp1:
0x47: {  	[sflag:s24] =	ssyncset.done @!p0 $0x0;
	(pc) =	sbr.rel @p2 .LBB2_4-.Ltmp1, $4  }
0x48: {  	s12 =	simm.s32 @!p0 $0x5200;
	s23 =	simm.s32 @!p0 $0x9;
	[sflag:s24] =	ssyncadd.s32 @!p0 $0xFFFFEC00  }
0x49: {  	[spmem:s10] =	stream.linear.scatter @!p0 [tilespmem:s12], [sflag:$0x9], $0x280, $0x38;
	[tilespmem:$0x1BC90] =	vst v63  }
0x4a: {  	s12 =	sadd.s32 s30, s4;
	s10 =	sadd.s32 $0x2800, s10;
	_ =	swait.ge @!p0 [sflag:s23], $0x280  }
0x4b: {  	s16 =	sadd.s32 $0x14000, s16;
	p1 =	sgt.u32 s12, $0xF9;
	[sflag:s23] =	ssyncset.done @!p0 $0x0  }
0x4c: {  	s12 =	simm.s32 @!p1 $0x200  }
0x4d: {  	s15 =	simm.s32 @!p1 $0xA;
	[sflag:s23] =	ssyncadd.s32 @!p0 $0xFFFFFD80;
	p0 =	por p1, p1  }
0x4e: {  	[spmem:s16] =	stream.linear.scatter @!p0 [tilespmem:s12], [sflag:$0xA], $0x1400, $0x38;
	[tilespmem:$0x1BC90] =	vst v63  }
0x4f: {  	_ =	swait.ge @!p0 [sflag:s15], $0x1400  }
0x50: {  	[sflag:s15] =	ssyncset.done @!p0 $0x0  }
0x51: {  	s12 =	simm.s32 @!p0 $0x5200;
	[sflag:s15] =	ssyncadd.s32 @!p0 $0xFFFFEC00;
	s15 =	simm.s32 @!p0 $0x9  }
0x52: {  	[spmem:s10] =	stream.linear.scatter @!p0 [tilespmem:s12], [sflag:$0x9], $0x280, $0x38;
	[tilespmem:$0x1BC90] =	vst v63  }
0x53: {  	_ =	swait.ge @!p0 [sflag:s15], $0x280  }
0x54: {  	[sflag:s15] =	ssyncset.done @!p0 $0x0  }
0x55: {  	[sflag:s15] =	ssyncadd.s32 @!p0 $0xFFFFFD80  }
0x56: {  	[bflag:$0x0] =	sbarrier.arrive $0xFFFF  }
0x57: {  	s16 =	simm.s32 $0x0;
	s12 =	simm.s32 $0x4E200;
	s0 =	rddreg [dreg:$0x7]  }
0x58: {  	[tilespmem:s16], [sflag:$0x9] =	stream.strided.gather [hbm4b:s0+s25], $0x50, s12, s25, $0x38;
	[tilespmem:$0x1BC90] =	vst v63  }
0x59: {  	_ =	swait.ge [sflag:s31], $0x50  }
0x5a: {  	[sflag:s31] =	ssyncset.done $0x0  }
0x5b: {  	s30 =	simm.s32 $0x140;
	s24 =	rddreg [dreg:$0x8];
	[sflag:s31] =	ssyncadd.s32 $0xFFFFFFB0  }
0x5c: {  	[tilespmem:s30], [sflag:$0x9] =	stream.linear.gather [hbm4b:s24+s16], $0x28, $0x38;
	[tilespmem:$0x1BC90] =	vst v63  }
0x5d: {  	s15 =	simm.s32 $0x170;
	s0 =	sadd.s32 $0x9C40, s24  }
0x5e: {  	[tilespmem:s15], [sflag:$0x9] =	stream.linear.gather [hbm4b:s0+s16], $0x28, $0x38;
	[tilespmem:$0x1BC90] =	vst v63  }
0x5f: {  	_ =	swait.ge [sflag:s31], $0x50  }
0x60: {  	[sflag:s31] =	ssyncset.done $0x0  }
0x61: {  	[sflag:s31] =	ssyncadd.s32 $0xFFFFFFB0;
	s31 =	simm.s32 $0x200  }
0x62: {  	[tilespmem:s31], [sflag:$0x1] =	stream.indirect.gather [hbm4b:s1+s25], $0x80, s16, s25, $0xb8;
	[tilespmem:$0x1BC90] =	vst v63  }
0x63: {  	s23 =	simm.s32 $0x2A00  }
0x64: {  	[tilespmem:s23], [sflag:$0x1] =	stream.indirect.gather [hbm4b:s1+s25], $0x80, s25, s25, $0xb8;
	[tilespmem:$0x1BC90] =	vst v63  }
0x65: {  	s30 =	simm.s32 $0x50;
	s24 =	rddreg [dreg:$0x9]  }
0x66: {  	[tilespmem:s30], [sflag:$0x6] =	stream.strided.gather [hbm4b:s24+s25], $0x50, s12, s25, $0x38;
	[tilespmem:$0x1BC90] =	vst v63  }
0x67: {  	s0 =	simm.s32 $0x2A00;
	s15 =	rddreg [dreg:$0xa];
	s23 =	simm.s32 $0x1A0  }
0x68: {  	[tilespmem:s23], [sflag:$0x6] =	stream.linear.gather [hbm4b:s15+s16], $0x28, $0x38;
	[tilespmem:$0x1BC90] =	vst v63  }
0x69: {  	s24 =	sadd.s32 $0x9C40, s15;
	s30 =	simm.s32 $0x1D0;
	s23 =	rddreg [dreg:$0xe]  }
0x6a: {  	[tilespmem:s30], [sflag:$0x6] =	stream.linear.gather [hbm4b:s24+s16], $0x28, $0x38;
	[tilespmem:$0x1BC90] =	vst v63  }
.LBB2_6:
0x6b: {  	_ =	swait.ge [sflag:s28], $0x1400  }
0x6c: {  	[sflag:s28] =	ssyncset.done $0x0  }
0x6d: {  	[sflag:s28] =	ssyncadd.s32 $0xFFFFEC00  }
0x6e: {  	_ =	swait.ge [sflag:s28], $0x1400  }
0x6f: {  	[sflag:s28] =	ssyncset.done $0x0  }
0x70: {  	[sflag:s28] =	ssyncadd.s32 $0xFFFFEC00  }
0x71: {  	v1 =	vld [tilespmem:$0x0]  }
0x72: {  	v2 =	vld [tilespmem:$0x10]  }
0x73: {  	v4 =	vld [tilespmem:$0x28]  }
0x74: {  	v5 =	vld [tilespmem:$0x38]  }
0x75: {  	v3 =	vld [tilespmem:$0x18]  }
0x76: {  	[tilespmem:$0xA0] =	vst v1;
	v1 =	vld [tilespmem:$0x40]  }
0x77: {  	[tilespmem:$0xB0] =	vst v2  }
0x78: {  	[tilespmem:$0xC8] =	vst v4  }
0x79: {  	[tilespmem:$0xD8] =	vst v5  }
0x7a: {  	p0 =	seq.s32 s16, $0x0;
	[tilespmem:$0xB8] =	vst v3  }
0x7b: {  	s10 =	simm.s32 @!p0 $0x4;
	[tilespmem:$0xE0] =	vst v1  }
0x7c: {  	_ =	swait.ge @!p0 [sflag:s10], $0x1400  }
0x7d: {  	[sflag:s10] =	ssyncset.done @!p0 $0x0  }
0x7e: {  	[sflag:s10] =	ssyncadd.s32 @!p0 $0xFFFFEC00  }
0x7f: {  	_ =	swait.ge @!p0 [sflag:s10], $0x1400  }
0x80: {  	[sflag:s10] =	ssyncset.done @!p0 $0x0  }
0x81: {  	[sflag:s10] =	ssyncadd.s32 @!p0 $0xFFFFEC00  }
0x82: {  	_ =	swait.ge [sflag:s29], $0x50  }
0x83: {  	[sflag:s29] =	ssyncset.done $0x0  }
0x84: {  	[sflag:s29] =	ssyncadd.s32 $0xFFFFFFB0  }
0x85: {  	_ =	swait.ge [sflag:s29], $0x50  }
0x86: {  	[sflag:s29] =	ssyncset.done $0x0  }
0x87: {  	s15 =	simm.s32 $0x50;
	p0 =	seq.s32 s16, $0x4D8;
	[sflag:s29] =	ssyncadd.s32 $0xFFFFFFB0  }
0x88: {  	[tilespmem:s22], [sflag:$0x2] =	stream.indirect.gather [hbm4b:s1+s25], $0x80, s15, s25, $0xb8;
	[tilespmem:$0x1BC90] =	vst v63  }
0x89: {  	s24 =	simm.s32 $0x78;
	s12 =	sshrl.u32 @!p0 s23, $0x3;
	s10 =	simm.s32 @!p0 $0x4E200  }
0x8a: {  	[tilespmem:s5], [sflag:$0x2] =	stream.indirect.gather [hbm4b:s1+s25], $0x80, s24, s25, $0xb8;
	[tilespmem:$0x1BC90] =	vst v63  }
0x8b: {  	s30 =	sadd.s32 @!p0 s6, s12;
	s15 =	simm.s32 @!p0 $0x0;
	s24 =	simm.s32 @!p0 $0x28  }
0x8c: {  	[tilespmem:s15], [sflag:$0x5] =	stream.strided.gather @!p0 [hbm4b:s30+s24], $0x50, s10, s24, $0x38;
	[tilespmem:$0x1BC90] =	vst v63  }
0x8d: {  	p1 =	seq.s32 @!p0 s16, $0x0;
	s12 =	sadd.s32 @!p0 s7, s12;
	s30 =	simm.s32 @!p0 $0x140  }
0x8e: {  	[tilespmem:s30], [sflag:$0x5] =	stream.linear.gather @!p0 [hbm4b:s12+s15], $0x28, $0x38;
	[tilespmem:$0x1BC90] =	vst v63  }
0x8f: {  	p1 =	por p0, !p1;
	s12 =	sadd.s32 @!p0 $0x9C40, s12;
	s30 =	simm.s32 @!p0 $0x170  }
0x90: {  	[tilespmem:s30], [sflag:$0x5] =	stream.linear.gather @!p0 [hbm4b:s12+s15], $0x28, $0x38;
	[tilespmem:$0x1BC90] =	vst v63  }
0x91: {  	_ =	swait.ge @p1 [sflag:s21], $0x280  }
0x92: {  	[sflag:s21] =	ssyncset.done @p1 $0x0  }
0x93: {  	[sflag:s21] =	ssyncadd.s32 @p1 $0xFFFFFD80  }
0x94: {  	_ =	swait.ge @p1 [sflag:s21], $0x280  }
0x95: {  	[sflag:s21] =	ssyncset.done @p1 $0x0  }
0x96: {  	[sflag:s21] =	ssyncadd.s32 @p1 $0xFFFFFD80  }
0x97: {  	[spmem:s2] =	stream.indirect.scatter.add.f32 [tilespmem:s31], [sflag:$0x3], $0x80, s8, s25, $0xb8;
	[tilespmem:$0x1BC90] =	vst v63  }
0x98: {  	_ = 	snop  }
0x99: {  	[spmem:s2] =	stream.indirect.scatter.add.f32 [tilespmem:s0], [sflag:$0x3], $0x80, s9, s25, $0xb8;
	[tilespmem:$0x1BC90] =	vst v63  }
0x9a: {  	s30 =	simm.s32 $0x5200  }
0x9b: {  	[spmem:s3] =	stream.indirect.scatter.add.f32 [tilespmem:s30], [sflag:$0x7], $0x10, s8, s25, $0xb8;
	[tilespmem:$0x1BC90] =	vst v63  }
0x9c: {  	s30 =	simm.s32 $0x5700  }
0x9d: {  	[spmem:s3] =	stream.indirect.scatter.add.f32 [tilespmem:s30], [sflag:$0x7], $0x10, s9, s25, $0xb8;
	[tilespmem:$0x1BC90] =	vst v63  }
0x9e: {  	_ =	swait.ge [sflag:s14], $0x1400  }
0x9f: {  	[sflag:s14] =	ssyncset.done $0x0  }
0xa0: {  	[sflag:s14] =	ssyncadd.s32 $0xFFFFEC00  }
0xa1: {  	_ =	swait.ge [sflag:s14], $0x1400  }
0xa2: {  	[sflag:s14] =	ssyncset.done $0x0  }
0xa3: {  	[sflag:s14] =	ssyncadd.s32 $0xFFFFEC00  }
0xa4: {  	v1 =	vld [tilespmem:$0x50]  }
0xa5: {  	v2 =	vld [tilespmem:$0x60]  }
0xa6: {  	v62 =	vld [tilespmem:$0x78]  }
0xa7: {  	v63 =	vld [tilespmem:$0x88]  }
0xa8: {  	v3 =	vld [tilespmem:$0x68]  }
0xa9: {  	[tilespmem:$0xF0] =	vst v1;
	v1 =	vld [tilespmem:$0x90]  }
0xaa: {  	[tilespmem:$0x100] =	vst v2  }
0xab: {  	[tilespmem:$0x118] =	vst v62  }
0xac: {  	[tilespmem:$0x128] =	vst v63  }
0xad: {  	[tilespmem:$0x108] =	vst v3  }
0xae: {  	s12 =	simm.s32 @!p0 $0x3;
	[tilespmem:$0x130] =	vst v1  }
0xaf: {  	_ =	swait.ge @!p0 [sflag:s12], $0x1400  }
0xb0: {  	[sflag:s12] =	ssyncset.done @!p0 $0x0  }
0xb1: {  	[sflag:s12] =	ssyncadd.s32 @!p0 $0xFFFFEC00  }
0xb2: {  	_ =	swait.ge @!p0 [sflag:s12], $0x1400  }
0xb3: {  	[sflag:s12] =	ssyncset.done @!p0 $0x0  }
0xb4: {  	[sflag:s12] =	ssyncadd.s32 @!p0 $0xFFFFEC00;
	s12 =	simm.s32 @!p0 $0x5  }
0xb5: {  	_ =	swait.ge @!p0 [sflag:s12], $0x50  }
0xb6: {  	[sflag:s12] =	ssyncset.done @!p0 $0x0  }
0xb7: {  	[sflag:s12] =	ssyncadd.s32 @!p0 $0xFFFFFFB0  }
0xb8: {  	_ =	swait.ge @!p0 [sflag:s12], $0x50  }
0xb9: {  	[sflag:s12] =	ssyncset.done @!p0 $0x0  }
0xba: {  	[sflag:s12] =	ssyncadd.s32 @!p0 $0xFFFFFFB0;
	s12 =	simm.s32 @!p0 $0x200  }
0xbb: {  	[tilespmem:s12], [sflag:$0x1] =	stream.indirect.gather @!p0 [hbm4b:s1+s24], $0x80, s15, s24, $0xb8;
	[tilespmem:$0x1BC90] =	vst v63  }
0xbc: {  	s12 =	simm.s32 @!p0 $0x2A00  }
0xbd: {  	[tilespmem:s12], [sflag:$0x1] =	stream.indirect.gather @!p0 [hbm4b:s1+s24], $0x80, s24, s24, $0xb8;
	[tilespmem:$0x1BC90] =	vst v63  }
0xbe: {  	s30 =	simm.s32 @!p0 $0x50;
	s12 =	sadd.s32 @!p0 s16, s18  }
0xbf: {  	[tilespmem:s30], [sflag:$0x6] =	stream.strided.gather @!p0 [hbm4b:s12+s24], $0x50, s10, s24, $0x38;
	[tilespmem:$0x1BC90] =	vst v63  }
0xc0: {  	s10 =	sadd.s32 @!p0 s16, s17;
	s12 =	simm.s32 @!p0 $0x1A0  }
0xc1: {  	[tilespmem:s12], [sflag:$0x6] =	stream.linear.gather @!p0 [hbm4b:s10+s15], $0x28, $0x38;
	[tilespmem:$0x1BC90] =	vst v63  }
0xc2: {  	s10 =	sadd.s32 @!p0 $0x9C40, s10;
	s12 =	simm.s32 @!p0 $0x1D0  }
0xc3: {  	[tilespmem:s12], [sflag:$0x6] =	stream.linear.gather @!p0 [hbm4b:s10+s15], $0x28, $0x38;
	[tilespmem:$0x1BC90] =	vst v63  }
0xc4: {  	_ =	swait.ge [sflag:s26], $0x280  }
0xc5: {  	[sflag:s26] =	ssyncset.done $0x0  }
0xc6: {  	[sflag:s26] =	ssyncadd.s32 $0xFFFFFD80  }
0xc7: {  	_ =	swait.ge [sflag:s26], $0x280  }
0xc8: {  	[sflag:s26] =	ssyncset.done $0x0  }
0xc9: {  	s16 =	sadd.s32 $0xA, s16;
	[sflag:s26] =	ssyncadd.s32 $0xFFFFFD80  }
0xca: {  	[spmem:s2] =	stream.indirect.scatter.add.f32 [tilespmem:s22], [sflag:$0x4], $0x80, s19, s25, $0xb8;
	[tilespmem:$0x1BC90] =	vst v63  }
0xcb: {  	p0 =	sne.s32 s16, $0x4E2  }
0xcc: {  	[spmem:s2] =	stream.indirect.scatter.add.f32 [tilespmem:s5], [sflag:$0x4], $0x80, s11, s25, $0xb8;
	[tilespmem:$0x1BC90] =	vst v63  }
.Ltmp2:
0xcd: {  	_ = 	snop;
	(pc) =	sbr.rel @p0 .LBB2_6-.Ltmp2, $4  }
0xce: {  	s24 =	simm.s32 $0x5480  }
0xcf: {  	[spmem:s3] =	stream.indirect.scatter.add.f32 [tilespmem:s24], [sflag:$0x8], $0x10, s19, s25, $0xb8;
	[tilespmem:$0x1BC90] =	vst v63  }
0xd0: {  	s23 =	sadd.s32 $0x50, s23;
	s30 =	simm.s32 $0x5980  }
0xd1: {  	[spmem:s3] =	stream.indirect.scatter.add.f32 [tilespmem:s30], [sflag:$0x8], $0x10, s11, s25, $0xb8;
	[tilespmem:$0x1BC90] =	vst v63  }
0xd2: {  	s0 =	simm.s32 $0x3  }
0xd3: {  	_ =	swait.ge [sflag:s0], $0x1400  }
0xd4: {  	[sflag:s0] =	ssyncset.done $0x0  }
0xd5: {  	[sflag:s0] =	ssyncadd.s32 $0xFFFFEC00  }
0xd6: {  	_ =	swait.ge [sflag:s0], $0x1400  }
0xd7: {  	[sflag:s0] =	ssyncset.done $0x0  }
0xd8: {  	s31 =	simm.s32 $0x4;
	[sflag:s0] =	ssyncadd.s32 $0xFFFFEC00  }
0xd9: {  	_ =	swait.ge [sflag:s31], $0x1400  }
0xda: {  	[sflag:s31] =	ssyncset.done $0x0  }
0xdb: {  	[sflag:s31] =	ssyncadd.s32 $0xFFFFEC00  }
0xdc: {  	_ =	swait.ge [sflag:s31], $0x1400  }
0xdd: {  	[sflag:s31] =	ssyncset.done $0x0  }
0xde: {  	[sflag:s31] =	ssyncadd.s32 $0xFFFFEC00  }
0xdf: {  	_ =	swait.ge [sflag:s21], $0x280  }
0xe0: {  	[sflag:s21] =	ssyncset.done $0x0  }
0xe1: {  	[sflag:s21] =	ssyncadd.s32 $0xFFFFFD80  }
0xe2: {  	_ =	swait.ge [sflag:s21], $0x280  }
0xe3: {  	s10 =	sadd.s32 $0x0, s4;
	[sflag:s21] =	ssyncset.done $0x0  }
0xe4: {  	p0 =	sgt.u32 s10, $0xF9;
	[sflag:s21] =	ssyncadd.s32 $0xFFFFFD80  }
0xe5: {  	s10 =	sshll.u32 @!p0 s4, $0x6;
	s15 =	sshrl.u32 @!p0 s13, $0x3;
	[bflag:$0x0] =	sbarrier.arrive $0xFFFF  }
0xe6: {  	s23 =	simm.s32 @!p0 $0xA;
	s12 =	sor.u32 @!p0 $0x1C0A, s10;
	s0 =	rddreg [dreg:$0xf]  }
0xe7: {  	[hbm:s0], [sflag:s12] =	dma.local @!p0 [spmem:s15], $0x280  }
0xe8: {  	s16 =	simm.s32 $0x20;
	s30 =	simm.s32 @!p0 $0x9;
	_ =	swait.ge @!p0 [sflag:s23], $0x280  }
0xe9: {  	s12 =	sor.u32 @!p0 $0x1C09, s10;
	[sflag:s23] =	ssyncset.done @!p0 $0x0;
	s24 =	rddreg [dreg:$0x10]  }
0xea: {  	s15 =	sshrl.u32 @!p0 s20, $0x3;
	s10 =	sadd.s32 $0x500, s24;
	[sflag:s23] =	ssyncadd.s32 @!p0 $0xFFFFFD80  }
0xeb: {  	[hbm:s24], [sflag:s12] =	dma.local @!p0 [spmem:s15], $0x50  }
0xec: {  	s23 =	sadd.s32 $0x2800, s0;
	s15 =	sadd.s32 $0x2800, s20;
	_ =	swait.ge @!p0 [sflag:s30], $0x50  }
0xed: {  	s12 =	sadd.s32 $0x10, s4;
	s24 =	sadd.s32 $0x14000, s13;
	[sflag:s30] =	ssyncset.done @!p0 $0x0  }
.LBB2_8:
0xee: {  	[sflag:s30] =	ssyncadd.s32 @!p0 $0xFFFFFFB0;
	p0 =	sgt.u32 s12, $0xF9  }
0xef: {  	s12 =	smov.u32 s16;
	s16 =	sadd.s32 $0x10, s16;
	s31 =	smov.u32 s10  }
0xf0: {  	p1 =	sne.s32 s16, $0x100;
	s30 =	sshll.u32 @!p0 s4, $0x6  }
0xf1: {  	s13 =	sshrl.u32 @!p0 s24, $0x3;
	s20 =	simm.s32 @!p0 $0xA;
	s0 =	sor.u32 @!p0 $0x1C0A, s30  }
0xf2: {  	[hbm:s23], [sflag:s0] =	dma.local @!p0 [spmem:s13], $0x280  }
0xf3: {  	s0 =	sor.u32 @!p0 $0x1C09, s30;
	_ =	swait.ge @!p0 [sflag:s20], $0x280  }
.Ltmp3:
0xf4: {  	s10 =	sadd.s32 $0x500, s10;
	[sflag:s20] =	ssyncset.done @!p0 $0x0;
	(pc) =	sbr.rel @p1 .LBB2_8-.Ltmp3, $4  }
0xf5: {  	s13 =	sshrl.u32 @!p0 s15, $0x3;
	s30 =	simm.s32 @!p0 $0x9;
	[sflag:s20] =	ssyncadd.s32 @!p0 $0xFFFFFD80  }
0xf6: {  	[hbm:s31], [sflag:s0] =	dma.local @!p0 [spmem:s13], $0x50  }
0xf7: {  	s23 =	sadd.s32 $0x2800, s23;
	s15 =	sadd.s32 $0x2800, s15;
	_ =	swait.ge @!p0 [sflag:s30], $0x50  }
0xf8: {  	s12 =	sadd.s32 s12, s4;
	s24 =	sadd.s32 $0x14000, s24;
	[sflag:s30] =	ssyncset.done @!p0 $0x0  }
0xf9: {  	p1 =	sgt.u32 s12, $0xF9  }
0xfa: {  	[sflag:s30] =	ssyncadd.s32 @!p0 $0xFFFFFFB0;
	s0 =	sshll.u32 @!p1 s4, $0x6  }
0xfb: {  	s13 =	sshrl.u32 @!p1 s24, $0x3;
	s16 =	simm.s32 @!p1 $0xA;
	s12 =	sor.u32 @!p1 $0x1C0A, s0  }
0xfc: {  	[hbm:s23], [sflag:s12] =	dma.local @!p1 [spmem:s13], $0x280  }
0xfd: {  	_ =	swait.ge @!p1 [sflag:s16], $0x280  }
0xfe: {  	s0 =	sor.u32 @!p1 $0x1C09, s0;
	[sflag:s16] =	ssyncset.done @!p1 $0x0  }
0xff: {  	s12 =	sshrl.u32 @!p1 s15, $0x3;
	s13 =	simm.s32 @!p1 $0x9;
	[sflag:s16] =	ssyncadd.s32 @!p1 $0xFFFFFD80  }
0x100: {  	[hbm:s10], [sflag:s0] =	dma.local @!p1 [spmem:s12], $0x50  }
0x101: {  	_ =	swait.ge @!p1 [sflag:s13], $0x50  }
0x102: {  	s24 =	rddreg [dreg:$0x11]  }
0x103: {  	s30 =	rddreg [dreg:$0xb];
	s10 =	sadd.s32 $0x1, s24  }
0x104: {  	p0 =	sne.s32 s10, s30  }
.Ltmp4:
0x105: {  	_ = 	snop;
	(pc) =	sbr.rel @p0 .LBB2_1-.Ltmp4, $3  }
0x106: {  	_ =	sdelay $0x1  }
0x107: {  	[sflag:s13] =	ssyncset.done @!p1 $0x0;
	s20 =	rddreg [dreg:$0xd]  }
0x108: {  	s31 =	simm.s32 $0x9;
	[sflag:s13] =	ssyncadd.s32 @!p1 $0xFFFFFFB0;
	s13 =	rddreg [dreg:$0xc]  }
0x109: {  	_ =	sfence.sel $0x180000  }
0x10a: {  	[bflag:$0x0] =	sbarrier.arrive $0xFFFF  }
0x10b: {  	_ =	strace $0x9000004A  }
0x10c: {  	[bflag:$0x2] =	sbarrier.arrive $0xFFFF  }
0x10d: {  	p0 =	sne.s32 s4, $0x0;
	s0 =	rddreg [dreg:$0x4]  }
0x10e: {  	s0 =	sadd.s32 @!p0 $0x100000, s0  }
0x10f: {  	[sflag:s0] =	ssyncadd.tile.s32 @!p0 $0x1;
	_ =	shalt  }
.Lfunc_end2:
_tile_overlayer_lowered:
.L_overlay_start_2:
0x110: {  	(tag) =	ssettag $0x2  }
0x111: {  	s0 =	rddreg [dreg:$0x0];
	s2 =	stileid.u32  }
0x112: {  	s1 =	rddreg [dreg:$0x1];
	p0 =	sne.s32 s2, $0x0  }
0x113: {  	s3 =	rddreg [dreg:$0x2];
	[bflag:$0x3] =	sbarrier.arrive $0xFFFF;
	s2 =	simm.s32 @!p0 $0x1C09  }
0x114: {  	[timem:s3], [sflag:s2] =	dma.local @!p0 [hbm:s0], s1  }
0x115: {  	s0 =	simm.s32 @!p0 $0x9  }
0x116: {  	_ =	swait.ge @!p0 [sflag:s0], s1  }
0x117: {  	s1 =	ssub.s32 @!p0 $0x0, s1;
	[sflag:s0] =	ssyncset.done @!p0 $0x0  }
0x118: {  	[sflag:s0] =	ssyncadd.s32 @!p0 s1  }
0x119: {  	[bflag:$0x3] =	sbarrier.arrive $0xFFFF  }
0x11a: {  	_ =	shalt  }

</sc_bundles>
